<compile_context>
chip_gen: v7x
topology: tpu7x:2x2x1
jax: 0.10.2.dev20260603
libtpu: 0.0.44.dev20260713+nightly
codegen_flags: <defaults>
</compile_context>

<pallas_src>
import functools
import jax
import jax.numpy as jnp
from jax import lax
from jax.experimental import pallas as pl
from jax.experimental.pallas import tpu as pltpu
from jax.experimental.pallas import tpu_sc as plsc

N_CTX = 20000
TILE = 512
N_PAD = 20480
GRID = N_PAD // TILE
NBLK = N_PAD // 128
K = 100
KPAD = 128
UNIT = 2.0
BIG = 1 << 30


def _heads_decode_kernel(x_ref, w_ref, b_ref, sal_ref, y_ref, score_ref,
                         inds_ref, c_ref, kept_ref):
    i = pl.program_id(0)
    xb = x_ref[...].reshape(8 * TILE, 256)
    y = lax.dot_general(xb, w_ref[...], (((1,), (0,)), ((), ())),
                        preferred_element_type=jnp.float32)
    y_ref[...] = y
    c_logit = y[:, 0:1].reshape(8, TILE) + b_ref[:, 0:1]
    col = i * TILE + lax.broadcasted_iota(jnp.int32, (8, TILE), 1)
    ok = (sal_ref[...] >= 0) & (col < N_CTX)
    c_ref[:, pl.ds(pl.multiple_of(i * TILE, TILE), TILE)] = jnp.where(
        ok, jax.nn.sigmoid(c_logit), 0.0)

    @pl.when(i == GRID - 1)
    def _decode():
        _decode_body(c_ref, score_ref, inds_ref, kept_ref)


def _decode_body(c_ref, score_ref, inds_ref, kept_ref):
    c = c_ref[...]
    colN = lax.broadcasted_iota(jnp.int32, (8, N_PAD), 1)
    r = pltpu.roll(c, shift=N_PAD - 1, axis=1)
    l = pltpu.roll(c, shift=1, axis=1)
    r = jnp.where(colN == N_PAD - 1, 0.0, r)
    l = jnp.where(colN == 0, 0.0, l)
    hmax = jnp.maximum(c, jnp.maximum(l, r))
    kept = jnp.where(hmax == c, c, 0.0)

    kept_ref[...] = kept
    lane = lax.broadcasted_iota(jnp.int32, (8, KPAD), 1)

    def body(i, carry):
        sc, ii = carry
        kept = kept_ref[...]
        m1 = jnp.max(kept, axis=1, keepdims=True)
        i1 = jnp.min(jnp.where(kept == m1, colN, BIG), axis=1,
                     keepdims=True)
        k2 = jnp.where(colN == i1, -1.0, kept)
        m2 = jnp.max(k2, axis=1, keepdims=True)
        i2 = jnp.min(jnp.where(k2 == m2, colN, BIG), axis=1,
                     keepdims=True)
        kept_ref[...] = jnp.where(colN == i2, -1.0, k2)
        h1 = lane == 2 * i
        h2 = lane == 2 * i + 1
        sc = jnp.where(h1, m1, jnp.where(h2, m2, sc))
        ii = jnp.where(h1, i1, jnp.where(h2, i2, ii))
        return sc, ii

    zf = jnp.zeros((8, KPAD), jnp.float32)
    zi = jnp.zeros((8, KPAD), jnp.int32)
    sc, ii = lax.fori_loop(0, K // 2, body, (zf, zi))
    score_ref[...] = sc[:, :K]
    inds_ref[...] = ii


def _gather_body(inds_hbm, y_hbm, bias_hbm, left_hbm, right_hbm,
                 idx_v, bias_v, out_v, sem):
    wid = lax.axis_index("s")
    base = wid * 64
    row = base // KPAD
    pltpu.sync_copy(inds_hbm.at[pl.ds(base, 64)], idx_v)
    pltpu.sync_copy(bias_hbm, bias_v)
    for k in range(4):
        n = idx_v[pl.ds(k * 16, 16)]
        tile = lax.shift_right_logical(n, 9)
        rem = jnp.bitwise_and(n, TILE - 1)
        p = tile * (TILE * 8) + row * TILE + rem
        pltpu.async_copy(y_hbm.at[p * 3 + 1], out_v, sem).wait()
        wv = out_v[...] + bias_v[pl.ds(0, 16)]
        pltpu.async_copy(y_hbm.at[p * 3 + 2], out_v, sem).wait()
        ov = out_v[...] + bias_v[pl.ds(16, 16)]
        off = jnp.maximum(ov, 0.0)
        win = jnp.maximum(wv, 0.0)
        center = n.astype(jnp.float32) + off
        left = jnp.clip(center - win / 2.0, 0.0, N_CTX - 1.0) * UNIT
        right = jnp.clip(center + win / 2.0, 0.0, N_CTX - 1.0) * UNIT + UNIT
        out_v[...] = left
        pltpu.sync_copy(out_v, left_hbm.at[pl.ds(base + k * 16, 16)])
        out_v[...] = right
        pltpu.sync_copy(out_v, right_hbm.at[pl.ds(base + k * 16, 16)])


def _sc_gather(inds_flat, y_flat, bias32):
    mesh = plsc.VectorSubcoreMesh(core_axis_name="c", subcore_axis_name="s",
                                  num_cores=1)
    kern = functools.partial(
        pl.kernel, mesh=mesh,
        out_type=[jax.ShapeDtypeStruct((8 * KPAD,), jnp.float32)] * 2,
        scratch_types=[
            pltpu.VMEM((64,), jnp.int32),
            pltpu.VMEM((32,), jnp.float32),
            pltpu.VMEM((16,), jnp.float32),
            pltpu.SemaphoreType.DMA,
        ],
    )(_gather_body)
    return kern(inds_flat, y_flat, bias32)


@jax.jit
def kernel(x, saliency, Wc, bc, Ww, bw, Wo, bo):
    w = jnp.concatenate([Wc, Ww, Wo], axis=1)
    b = jnp.broadcast_to(jnp.stack([bc[0], bw[0], bo[0]])[None, :], (8, 3))
    y_all, score, inds = pl.pallas_call(
        _heads_decode_kernel,
        grid=(GRID,),
        in_specs=[
            pl.BlockSpec((8, TILE, 256), lambda i: (0, i, 0)),
            pl.BlockSpec((256, 3), lambda i: (0, 0)),
            pl.BlockSpec((8, 3), lambda i: (0, 0)),
            pl.BlockSpec((8, TILE), lambda i: (0, i)),
        ],
        out_specs=[pl.BlockSpec((8 * TILE, 3), lambda i: (i, 0)),
                   pl.BlockSpec((8, K), lambda i: (0, 0)),
                   pl.BlockSpec((8, KPAD), lambda i: (0, 0))],
        out_shape=[jax.ShapeDtypeStruct((GRID * 8 * TILE, 3), jnp.float32),
                   jax.ShapeDtypeStruct((8, K), jnp.float32),
                   jax.ShapeDtypeStruct((8, KPAD), jnp.int32)],
        scratch_shapes=[pltpu.VMEM((8, N_PAD), jnp.float32),
                        pltpu.VMEM((8, N_PAD), jnp.float32)],
    )(x, w, b, saliency)
    bias32 = jnp.concatenate([jnp.broadcast_to(bw, (16,)),
                              jnp.broadcast_to(bo, (16,))])
    left, right = _sc_gather(inds.reshape(8 * KPAD), y_all.reshape(-1),
                             bias32)
    left = left.reshape(8, KPAD)[:, :K]
    right = right.reshape(8, KPAD)[:, :K]
    return jnp.stack([left, right, score[:, :K]], axis=2)

# --- scband reference (transcript-rebuilt; emitter-appended) ---
"""Pipeline reference for scband-boundary-head-73289321939606 (READ-ONLY COPY).

The authoritative reference and input builder live on the scoring server;
editing this copy changes nothing except your own understanding.
"""

import jax, jax.numpy as jnp
import numpy as np

KERNEL = 3
MAX_NUM_MOMENTS = 100
UNIT = 2.0


def setup_inputs(seed: int = 0) -> dict:
    key = jax.random.key(seed)
    ks = jax.random.split(key, 8)
    B, N, D = 8, 20000, 256
    x = jax.random.normal(ks[0], (B, N, D), dtype=jnp.float32)
    saliency = jax.random.normal(ks[1], (B, N), dtype=jnp.float32)
    Wc = jax.random.normal(ks[2], (D, 1), dtype=jnp.float32) * 0.02
    bc = jnp.zeros((1,), dtype=jnp.float32)
    Ww = jax.random.normal(ks[3], (D, 1), dtype=jnp.float32) * 0.02
    bw = jnp.zeros((1,), dtype=jnp.float32)
    Wo = jax.random.normal(ks[4], (D, 1), dtype=jnp.float32) * 0.02
    bo = jnp.zeros((1,), dtype=jnp.float32)
    return {"x": x, "saliency": saliency, "Wc": Wc, "bc": bc, "Ww": Ww, "bw": bw, "Wo": Wo, "bo": bo}


def _get_boundary(center_pred, window_pred, offset_pred):
    B, N = center_pred.shape
    pad = (KERNEL - 1) // 2
    # max_pool1d over clip axis, stride 1, SAME-style padding (NMS keep-mask)
    hmax = jax.lax.reduce_window(
        center_pred, -jnp.inf, jax.lax.max,
        window_dimensions=(1, KERNEL), window_strides=(1, 1),
        padding=((0, 0), (pad, pad)))
    keep = (hmax == center_pred).astype(center_pred.dtype)
    center_pred = center_pred * keep
    topk = min(MAX_NUM_MOMENTS, N)
    scores, inds = jax.lax.top_k(center_pred, topk)
    off = jnp.maximum(jnp.take_along_axis(offset_pred, inds, axis=1), 0.0)
    center = inds.astype(center_pred.dtype) + off
    window = jnp.maximum(jnp.take_along_axis(window_pred, inds, axis=1), 0.0)
    left = jnp.clip(center - window / 2.0, 0.0, N - 1.0) * UNIT
    right = jnp.clip(center + window / 2.0, 0.0, N - 1.0) * UNIT + UNIT
    boundary = jnp.stack([left, right, scores], axis=2)
    return boundary


def reference(x, saliency, Wc, bc, Ww, bw, Wo, bo):
    mask = jnp.where(saliency >= 0, 1.0, 0.0).astype(x.dtype)
    center_pred = jax.nn.sigmoid((x @ Wc + bc).squeeze(-1)) * mask
    window_pred = (x @ Ww + bw).squeeze(-1)
    offset_pred = (x @ Wo + bo).squeeze(-1)
    boundary = _get_boundary(center_pred, window_pred, offset_pred)
    return boundary

if __name__ == "__main__":
    import jax
    _d = setup_inputs()
    print(jax.jit(kernel)(*tuple(_d.values())))

</pallas_src>

<mosaic_0001>
#map = affine_map<(d0, d1) -> (0)>
module attributes {stable_mosaic.version = 14 : i64} {
  func.func @_gather_body(%arg0: i32, %arg1: i32, %arg2: memref<1024xi32, #tpu.memory_space<hbm>>, %arg3: memref<491520xf32, #tpu.memory_space<hbm>>, %arg4: memref<32xf32, #tpu.memory_space<hbm>>, %arg5: memref<1024xf32, #tpu.memory_space<hbm>>, %arg6: memref<1024xf32, #tpu.memory_space<hbm>>, %arg7: memref<64xi32, #tpu.memory_space<vmem>>, %arg8: memref<32xf32, #tpu.memory_space<vmem>>, %arg9: memref<16xf32, #tpu.memory_space<vmem>>, %arg10: memref<!tpu.dma_semaphore, #tpu.memory_space<semaphore_mem>>) attributes {dimension_semantics = [#tpu.dimension_semantics<core_parallel>, #tpu.dimension_semantics<subcore_parallel>], iteration_bounds = array<i64: 1, 16>, scalar_prefetch = 0 : i64, scratch_operands = 4 : i64, tpu.core_type = #tpu.core_type<sc_vector_subcore>, window_params = [{transform_indices = #map}, {transform_indices = #map}, {transform_indices = #map}, {transform_indices = #map}, {transform_indices = #map}]} {
    %mul3A = arith.constant 64 : i32
    %mul3A_0 = arith.muli %arg1, %mul3A : i32
    %jit3A = arith.constant 128 : i32
    %div3A = arith.divsi %mul3A_0, %jit3A : i32
    %sign3A = arith.constant 0 : i32
    %sign3A_1 = arith.cmpi sgt, %mul3A_0, %sign3A : i32
    %sign3A_2 = arith.extui %sign3A_1 : i1 to i32
    %sign3A_3 = arith.constant 0 : i32
    %sign3A_4 = arith.cmpi slt, %mul3A_0, %sign3A_3 : i32
    %sign3A_5 = arith.extui %sign3A_4 : i1 to i32
    %sign3A_6 = arith.subi %sign3A_2, %sign3A_5 : i32
    %sign3A_7 = arith.constant 0 : i32
    %sign3A_8 = arith.cmpi sgt, %jit3A, %sign3A_7 : i32
    %sign3A_9 = arith.extui %sign3A_8 : i1 to i32
    %sign3A_10 = arith.constant 0 : i32
    %sign3A_11 = arith.cmpi slt, %jit3A, %sign3A_10 : i32
    %sign3A_12 = arith.extui %sign3A_11 : i1 to i32
    %sign3A_13 = arith.subi %sign3A_9, %sign3A_12 : i32
    %ne3A = arith.cmpi ne, %sign3A_6, %sign3A_13 : i32
    %rem3A = arith.remsi %mul3A_0, %jit3A : i32
    %ne3A_14 = arith.constant 0 : i32
    %ne3A_15 = arith.cmpi ne, %rem3A, %ne3A_14 : i32
    %and3A = arith.andi %ne3A, %ne3A_15 : i1
    %sub3A = arith.constant 1 : i32
    %sub3A_16 = arith.subi %div3A, %sub3A : i32
    %select_n3A = arith.select %and3A, %sub3A_16, %div3A : i32
    "tpu.region"() ({
      %run_scoped3A = tpu.sem_alloc : memref<!tpu.dma_semaphore, #tpu.memory_space<semaphore_mem>>
      %dma_start3A_408 = tpu.memref_slice %arg2[%mul3A_0] : memref<1024xi32, #tpu.memory_space<hbm>> -> memref<64xi32, #tpu.memory_space<hbm>>
      %dma_start3A_409 = tpu.memref_slice %arg2[%mul3A_0] : memref<1024xi32, #tpu.memory_space<hbm>> -> memref<64xi32, #tpu.memory_space<hbm>>
      tpu.enqueue_dma source(%dma_start3A_409 : memref<64xi32, #tpu.memory_space<hbm>>) target(%arg7 : memref<64xi32, #tpu.memory_space<vmem>>) target_semaphore(%run_scoped3A : memref<!tpu.dma_semaphore, #tpu.memory_space<semaphore_mem>>)
      %dma_wait3A_410 = tpu.memref_slice %arg2[%mul3A_0] : memref<1024xi32, #tpu.memory_space<hbm>> -> memref<64xi32, #tpu.memory_space<hbm>>
      %dma_wait3A_411 = tpu.memref_slice %arg2[%mul3A_0] : memref<1024xi32, #tpu.memory_space<hbm>> -> memref<64xi32, #tpu.memory_space<hbm>>
      tpu.wait_dma2 semaphore(%run_scoped3A : memref<!tpu.dma_semaphore, #tpu.memory_space<semaphore_mem>>) src(%dma_wait3A_411 : memref<64xi32, #tpu.memory_space<hbm>>) dst(%arg7 : memref<64xi32, #tpu.memory_space<vmem>>)
      tpu.yield
    }) : () -> ()
    "tpu.region"() ({
      %run_scoped3A = tpu.sem_alloc : memref<!tpu.dma_semaphore, #tpu.memory_space<semaphore_mem>>
      tpu.enqueue_dma source(%arg4 : memref<32xf32, #tpu.memory_space<hbm>>) target(%arg8 : memref<32xf32, #tpu.memory_space<vmem>>) target_semaphore(%run_scoped3A : memref<!tpu.dma_semaphore, #tpu.memory_space<semaphore_mem>>)
      tpu.wait_dma2 semaphore(%run_scoped3A : memref<!tpu.dma_semaphore, #tpu.memory_space<semaphore_mem>>) src(%arg4 : memref<32xf32, #tpu.memory_space<hbm>>) dst(%arg8 : memref<32xf32, #tpu.memory_space<vmem>>)
      tpu.yield
    }) : () -> ()
    %get3A = arith.constant 0 : index
    %get3A_17 = tpu.vector_load %arg7[%get3A] {strides = array<i32>} : memref<64xi32, #tpu.memory_space<vmem>>, vector<16xi32>,
    %get3A_18 = vector.shape_cast %get3A_17 : vector<16xi32> to vector<16xi32>
    %shift_right_logical3A = arith.constant 9 : i32
    %shift_right_logical3A_19 = vector.broadcast %shift_right_logical3A : i32 to vector<16xi32>
    %shift_right_logical3A_20 = arith.shrui %get3A_18, %shift_right_logical3A_19 : vector<16xi32>
    %and3A_21 = arith.constant 511 : i32
    %and3A_22 = vector.broadcast %and3A_21 : i32 to vector<16xi32>
    %and3A_23 = arith.andi %get3A_18, %and3A_22 : vector<16xi32>
    %mul3A_24 = arith.constant 4096 : i32
    %mul3A_25 = vector.broadcast %mul3A_24 : i32 to vector<16xi32>
    %mul3A_26 = arith.muli %shift_right_logical3A_20, %mul3A_25 : vector<16xi32>
    %mul3A_27 = arith.constant 512 : i32
    %mul3A_28 = arith.muli %select_n3A, %mul3A_27 : i32
    %add3A = vector.broadcast %mul3A_28 : i32 to vector<16xi32>
    %add3A_29 = arith.addi %mul3A_26, %add3A : vector<16xi32>
    %add3A_30 = arith.addi %add3A_29, %and3A_23 : vector<16xi32>
    %mul3A_31 = arith.constant 3 : i32
    %mul3A_32 = vector.broadcast %mul3A_31 : i32 to vector<16xi32>
    %mul3A_33 = arith.muli %add3A_30, %mul3A_32 : vector<16xi32>
    %add3A_34 = arith.constant 1 : i32
    %add3A_35 = vector.broadcast %add3A_34 : i32 to vector<16xi32>
    %add3A_36 = arith.addi %mul3A_33, %add3A_35 : vector<16xi32>
    %dma_start3A = arith.constant 0 : i32
    %dma_start3A_37 = tpu.memref_slice %arg3[%dma_start3A] : memref<491520xf32, #tpu.memory_space<hbm>> -> memref<491520xf32, #tpu.memory_space<hbm>>
    tpu.enqueue_indirect_dma source(%dma_start3A_37 : memref<491520xf32, #tpu.memory_space<hbm>>) target(%arg9 : memref<16xf32, #tpu.memory_space<vmem>>) offsets(%add3A_36 : vector<16xi32>) semaphore(%arg10 : memref<!tpu.dma_semaphore, #tpu.memory_space<semaphore_mem>>)
    %dma_wait3A = arith.constant 0 : i32
    %dma_wait3A_38 = tpu.memref_slice %arg3[%dma_wait3A] : memref<491520xf32, #tpu.memory_space<hbm>> -> memref<491520xf32, #tpu.memory_space<hbm>>
    tpu.wait_indirect_dma semaphore(%arg10 : memref<!tpu.dma_semaphore, #tpu.memory_space<semaphore_mem>>) src(%dma_wait3A_38 : memref<491520xf32, #tpu.memory_space<hbm>>) dst(%arg9 : memref<16xf32, #tpu.memory_space<vmem>>)
    %get3A_39 = arith.constant 0 : index
    %get3A_40 = tpu.vector_load %arg9[%get3A_39] {strides = array<i32>} : memref<16xf32, #tpu.memory_space<vmem>>, vector<16xf32>,
    %get3A_41 = vector.shape_cast %get3A_40 : vector<16xf32> to vector<16xf32>
    %get3A_42 = arith.constant 0 : index
    %get3A_43 = tpu.vector_load %arg8[%get3A_42] {strides = array<i32>} : memref<32xf32, #tpu.memory_space<vmem>>, vector<16xf32>,
    %get3A_44 = vector.shape_cast %get3A_43 : vector<16xf32> to vector<16xf32>
    %add3A_45 = arith.addf %get3A_41, %get3A_44 : vector<16xf32>
    %mul3A_46 = arith.constant 3 : i32
    %mul3A_47 = vector.broadcast %mul3A_46 : i32 to vector<16xi32>
    %mul3A_48 = arith.muli %add3A_30, %mul3A_47 : vector<16xi32>
    %add3A_49 = arith.constant 2 : i32
    %add3A_50 = vector.broadcast %add3A_49 : i32 to vector<16xi32>
    %add3A_51 = arith.addi %mul3A_48, %add3A_50 : vector<16xi32>
    %dma_start3A_52 = arith.constant 0 : i32
    %dma_start3A_53 = tpu.memref_slice %arg3[%dma_start3A_52] : memref<491520xf32, #tpu.memory_space<hbm>> -> memref<491520xf32, #tpu.memory_space<hbm>>
    tpu.enqueue_indirect_dma source(%dma_start3A_53 : memref<491520xf32, #tpu.memory_space<hbm>>) target(%arg9 : memref<16xf32, #tpu.memory_space<vmem>>) offsets(%add3A_51 : vector<16xi32>) semaphore(%arg10 : memref<!tpu.dma_semaphore, #tpu.memory_space<semaphore_mem>>)
    %dma_wait3A_54 = arith.constant 0 : i32
    %dma_wait3A_55 = tpu.memref_slice %arg3[%dma_wait3A_54] : memref<491520xf32, #tpu.memory_space<hbm>> -> memref<491520xf32, #tpu.memory_space<hbm>>
    tpu.wait_indirect_dma semaphore(%arg10 : memref<!tpu.dma_semaphore, #tpu.memory_space<semaphore_mem>>) src(%dma_wait3A_55 : memref<491520xf32, #tpu.memory_space<hbm>>) dst(%arg9 : memref<16xf32, #tpu.memory_space<vmem>>)
    %get3A_56 = arith.constant 0 : index
    %get3A_57 = tpu.vector_load %arg9[%get3A_56] {strides = array<i32>} : memref<16xf32, #tpu.memory_space<vmem>>, vector<16xf32>,
    %get3A_58 = vector.shape_cast %get3A_57 : vector<16xf32> to vector<16xf32>
    %get3A_59 = arith.constant 16 : index
    %get3A_60 = tpu.vector_load %arg8[%get3A_59] {strides = array<i32>} : memref<32xf32, #tpu.memory_space<vmem>>, vector<16xf32>,
    %get3A_61 = vector.shape_cast %get3A_60 : vector<16xf32> to vector<16xf32>
    %add3A_62 = arith.addf %get3A_58, %get3A_61 : vector<16xf32>
    %max3A = arith.constant 0.000000e+00 : f32
    %max3A_63 = vector.broadcast %max3A : f32 to vector<16xf32>
    %max3A_64 = arith.maximumf %add3A_62, %max3A_63 : vector<16xf32>
    %max3A_65 = arith.constant 0.000000e+00 : f32
    %max3A_66 = vector.broadcast %max3A_65 : f32 to vector<16xf32>
    %max3A_67 = arith.maximumf %add3A_45, %max3A_66 : vector<16xf32>
    %convert_element_type3A = arith.sitofp %get3A_18 : vector<16xi32> to vector<16xf32>
    %add3A_68 = arith.addf %convert_element_type3A, %max3A_64 : vector<16xf32>
    %div3A_69 = arith.constant 2.000000e+00 : f32
    %div3A_70 = vector.broadcast %div3A_69 : f32 to vector<16xf32>
    %div3A_71 = arith.divf %max3A_67, %div3A_70 : vector<16xf32>
    %sub3A_72 = arith.subf %add3A_68, %div3A_71 : vector<16xf32>
    %jit3A_73 = arith.constant 0.000000e+00 : f32
    %jit3A_74 = arith.constant 1.999900e+04 : f32
    %max3A_75 = vector.broadcast %jit3A_73 : f32 to vector<16xf32>
    %max3A_76 = arith.maximumf %max3A_75, %sub3A_72 : vector<16xf32>
    %min3A = vector.broadcast %jit3A_74 : f32 to vector<16xf32>
    %min3A_77 = arith.minimumf %min3A, %max3A_76 : vector<16xf32>
    %mul3A_78 = arith.constant 2.000000e+00 : f32
    %mul3A_79 = vector.broadcast %mul3A_78 : f32 to vector<16xf32>
    %mul3A_80 = arith.mulf %min3A_77, %mul3A_79 : vector<16xf32>
    %div3A_81 = arith.constant 2.000000e+00 : f32
    %div3A_82 = vector.broadcast %div3A_81 : f32 to vector<16xf32>
    %div3A_83 = arith.divf %max3A_67, %div3A_82 : vector<16xf32>
    %add3A_84 = arith.addf %add3A_68, %div3A_83 : vector<16xf32>
    %jit3A_85 = arith.constant 0.000000e+00 : f32
    %jit3A_86 = arith.constant 1.999900e+04 : f32
    %max3A_87 = vector.broadcast %jit3A_85 : f32 to vector<16xf32>
    %max3A_88 = arith.maximumf %max3A_87, %add3A_84 : vector<16xf32>
    %min3A_89 = vector.broadcast %jit3A_86 : f32 to vector<16xf32>
    %min3A_90 = arith.minimumf %min3A_89, %max3A_88 : vector<16xf32>
    %mul3A_91 = arith.constant 2.000000e+00 : f32
    %mul3A_92 = vector.broadcast %mul3A_91 : f32 to vector<16xf32>
    %mul3A_93 = arith.mulf %min3A_90, %mul3A_92 : vector<16xf32>
    %add3A_94 = arith.constant 2.000000e+00 : f32
    %add3A_95 = vector.broadcast %add3A_94 : f32 to vector<16xf32>
    %add3A_96 = arith.addf %mul3A_93, %add3A_95 : vector<16xf32>
    %swap3A = arith.constant 0 : index
    %swap3A_97 = tpu.vector_load %arg9[%swap3A] {strides = array<i32>} : memref<16xf32, #tpu.memory_space<vmem>>, vector<16xf32>,
    %swap3A_98 = vector.shape_cast %swap3A_97 : vector<16xf32> to vector<16xf32>
    %swap3A_99 = vector.shape_cast %mul3A_80 : vector<16xf32> to vector<16xf32>
    tpu.vector_store %arg9[%swap3A], %swap3A_99 {strides = array<i32>} : memref<16xf32, #tpu.memory_space<vmem>>, vector<16xf32>,
    %add3A_100 = arith.constant 0 : i32
    %add3A_101 = arith.addi %mul3A_0, %add3A_100 : i32
    "tpu.region"() ({
      %run_scoped3A = tpu.sem_alloc : memref<!tpu.dma_semaphore, #tpu.memory_space<semaphore_mem>>
      %dma_start3A_408 = tpu.memref_slice %arg5[%add3A_101] : memref<1024xf32, #tpu.memory_space<hbm>> -> memref<16xf32, #tpu.memory_space<hbm>>
      %dma_start3A_409 = tpu.memref_slice %arg5[%add3A_101] : memref<1024xf32, #tpu.memory_space<hbm>> -> memref<16xf32, #tpu.memory_space<hbm>>
      tpu.enqueue_dma source(%arg9 : memref<16xf32, #tpu.memory_space<vmem>>) target(%dma_start3A_409 : memref<16xf32, #tpu.memory_space<hbm>>) target_semaphore(%run_scoped3A : memref<!tpu.dma_semaphore, #tpu.memory_space<semaphore_mem>>)
      %dma_wait3A_410 = tpu.memref_slice %arg5[%add3A_101] : memref<1024xf32, #tpu.memory_space<hbm>> -> memref<16xf32, #tpu.memory_space<hbm>>
      %dma_wait3A_411 = tpu.memref_slice %arg5[%add3A_101] : memref<1024xf32, #tpu.memory_space<hbm>> -> memref<16xf32, #tpu.memory_space<hbm>>
      tpu.wait_dma2 semaphore(%run_scoped3A : memref<!tpu.dma_semaphore, #tpu.memory_space<semaphore_mem>>) src(%arg9 : memref<16xf32, #tpu.memory_space<vmem>>) dst(%dma_wait3A_411 : memref<16xf32, #tpu.memory_space<hbm>>)
      tpu.yield
    }) : () -> ()
    %swap3A_102 = arith.constant 0 : index
    %swap3A_103 = tpu.vector_load %arg9[%swap3A_102] {strides = array<i32>} : memref<16xf32, #tpu.memory_space<vmem>>, vector<16xf32>,
    %swap3A_104 = vector.shape_cast %swap3A_103 : vector<16xf32> to vector<16xf32>
    %swap3A_105 = vector.shape_cast %add3A_96 : vector<16xf32> to vector<16xf32>
    tpu.vector_store %arg9[%swap3A_102], %swap3A_105 {strides = array<i32>} : memref<16xf32, #tpu.memory_space<vmem>>, vector<16xf32>,
    %add3A_106 = arith.constant 0 : i32
    %add3A_107 = arith.addi %mul3A_0, %add3A_106 : i32
    "tpu.region"() ({
      %run_scoped3A = tpu.sem_alloc : memref<!tpu.dma_semaphore, #tpu.memory_space<semaphore_mem>>
      %dma_start3A_408 = tpu.memref_slice %arg6[%add3A_107] : memref<1024xf32, #tpu.memory_space<hbm>> -> memref<16xf32, #tpu.memory_space<hbm>>
      %dma_start3A_409 = tpu.memref_slice %arg6[%add3A_107] : memref<1024xf32, #tpu.memory_space<hbm>> -> memref<16xf32, #tpu.memory_space<hbm>>
      tpu.enqueue_dma source(%arg9 : memref<16xf32, #tpu.memory_space<vmem>>) target(%dma_start3A_409 : memref<16xf32, #tpu.memory_space<hbm>>) target_semaphore(%run_scoped3A : memref<!tpu.dma_semaphore, #tpu.memory_space<semaphore_mem>>)
      %dma_wait3A_410 = tpu.memref_slice %arg6[%add3A_107] : memref<1024xf32, #tpu.memory_space<hbm>> -> memref<16xf32, #tpu.memory_space<hbm>>
      %dma_wait3A_411 = tpu.memref_slice %arg6[%add3A_107] : memref<1024xf32, #tpu.memory_space<hbm>> -> memref<16xf32, #tpu.memory_space<hbm>>
      tpu.wait_dma2 semaphore(%run_scoped3A : memref<!tpu.dma_semaphore, #tpu.memory_space<semaphore_mem>>) src(%arg9 : memref<16xf32, #tpu.memory_space<vmem>>) dst(%dma_wait3A_411 : memref<16xf32, #tpu.memory_space<hbm>>)
      tpu.yield
    }) : () -> ()
    %get3A_108 = arith.constant 16 : index
    %get3A_109 = tpu.vector_load %arg7[%get3A_108] {strides = array<i32>} : memref<64xi32, #tpu.memory_space<vmem>>, vector<16xi32>,
    %get3A_110 = vector.shape_cast %get3A_109 : vector<16xi32> to vector<16xi32>
    %shift_right_logical3A_111 = arith.constant 9 : i32
    %shift_right_logical3A_112 = vector.broadcast %shift_right_logical3A_111 : i32 to vector<16xi32>
    %shift_right_logical3A_113 = arith.shrui %get3A_110, %shift_right_logical3A_112 : vector<16xi32>
    %and3A_114 = arith.constant 511 : i32
    %and3A_115 = vector.broadcast %and3A_114 : i32 to vector<16xi32>
    %and3A_116 = arith.andi %get3A_110, %and3A_115 : vector<16xi32>
    %mul3A_117 = arith.constant 4096 : i32
    %mul3A_118 = vector.broadcast %mul3A_117 : i32 to vector<16xi32>
    %mul3A_119 = arith.muli %shift_right_logical3A_113, %mul3A_118 : vector<16xi32>
    %mul3A_120 = arith.constant 512 : i32
    %mul3A_121 = arith.muli %select_n3A, %mul3A_120 : i32
    %add3A_122 = vector.broadcast %mul3A_121 : i32 to vector<16xi32>
    %add3A_123 = arith.addi %mul3A_119, %add3A_122 : vector<16xi32>
    %add3A_124 = arith.addi %add3A_123, %and3A_116 : vector<16xi32>
    %mul3A_125 = arith.constant 3 : i32
    %mul3A_126 = vector.broadcast %mul3A_125 : i32 to vector<16xi32>
    %mul3A_127 = arith.muli %add3A_124, %mul3A_126 : vector<16xi32>
    %add3A_128 = arith.constant 1 : i32
    %add3A_129 = vector.broadcast %add3A_128 : i32 to vector<16xi32>
    %add3A_130 = arith.addi %mul3A_127, %add3A_129 : vector<16xi32>
    %dma_start3A_131 = arith.constant 0 : i32
    %dma_start3A_132 = tpu.memref_slice %arg3[%dma_start3A_131] : memref<491520xf32, #tpu.memory_space<hbm>> -> memref<491520xf32, #tpu.memory_space<hbm>>
    tpu.enqueue_indirect_dma source(%dma_start3A_132 : memref<491520xf32, #tpu.memory_space<hbm>>) target(%arg9 : memref<16xf32, #tpu.memory_space<vmem>>) offsets(%add3A_130 : vector<16xi32>) semaphore(%arg10 : memref<!tpu.dma_semaphore, #tpu.memory_space<semaphore_mem>>)
    %dma_wait3A_133 = arith.constant 0 : i32
    %dma_wait3A_134 = tpu.memref_slice %arg3[%dma_wait3A_133] : memref<491520xf32, #tpu.memory_space<hbm>> -> memref<491520xf32, #tpu.memory_space<hbm>>
    tpu.wait_indirect_dma semaphore(%arg10 : memref<!tpu.dma_semaphore, #tpu.memory_space<semaphore_mem>>) src(%dma_wait3A_134 : memref<491520xf32, #tpu.memory_space<hbm>>) dst(%arg9 : memref<16xf32, #tpu.memory_space<vmem>>)
    %get3A_135 = arith.constant 0 : index
    %get3A_136 = tpu.vector_load %arg9[%get3A_135] {strides = array<i32>} : memref<16xf32, #tpu.memory_space<vmem>>, vector<16xf32>,
    %get3A_137 = vector.shape_cast %get3A_136 : vector<16xf32> to vector<16xf32>
    %get3A_138 = arith.constant 0 : index
    %get3A_139 = tpu.vector_load %arg8[%get3A_138] {strides = array<i32>} : memref<32xf32, #tpu.memory_space<vmem>>, vector<16xf32>,
    %get3A_140 = vector.shape_cast %get3A_139 : vector<16xf32> to vector<16xf32>
    %add3A_141 = arith.addf %get3A_137, %get3A_140 : vector<16xf32>
    %mul3A_142 = arith.constant 3 : i32
    %mul3A_143 = vector.broadcast %mul3A_142 : i32 to vector<16xi32>
    %mul3A_144 = arith.muli %add3A_124, %mul3A_143 : vector<16xi32>
    %add3A_145 = arith.constant 2 : i32
    %add3A_146 = vector.broadcast %add3A_145 : i32 to vector<16xi32>
    %add3A_147 = arith.addi %mul3A_144, %add3A_146 : vector<16xi32>
    %dma_start3A_148 = arith.constant 0 : i32
    %dma_start3A_149 = tpu.memref_slice %arg3[%dma_start3A_148] : memref<491520xf32, #tpu.memory_space<hbm>> -> memref<491520xf32, #tpu.memory_space<hbm>>
    tpu.enqueue_indirect_dma source(%dma_start3A_149 : memref<491520xf32, #tpu.memory_space<hbm>>) target(%arg9 : memref<16xf32, #tpu.memory_space<vmem>>) offsets(%add3A_147 : vector<16xi32>) semaphore(%arg10 : memref<!tpu.dma_semaphore, #tpu.memory_space<semaphore_mem>>)
    %dma_wait3A_150 = arith.constant 0 : i32
    %dma_wait3A_151 = tpu.memref_slice %arg3[%dma_wait3A_150] : memref<491520xf32, #tpu.memory_space<hbm>> -> memref<491520xf32, #tpu.memory_space<hbm>>
    tpu.wait_indirect_dma semaphore(%arg10 : memref<!tpu.dma_semaphore, #tpu.memory_space<semaphore_mem>>) src(%dma_wait3A_151 : memref<491520xf32, #tpu.memory_space<hbm>>) dst(%arg9 : memref<16xf32, #tpu.memory_space<vmem>>)
    %get3A_152 = arith.constant 0 : index
    %get3A_153 = tpu.vector_load %arg9[%get3A_152] {strides = array<i32>} : memref<16xf32, #tpu.memory_space<vmem>>, vector<16xf32>,
    %get3A_154 = vector.shape_cast %get3A_153 : vector<16xf32> to vector<16xf32>
    %get3A_155 = arith.constant 16 : index
    %get3A_156 = tpu.vector_load %arg8[%get3A_155] {strides = array<i32>} : memref<32xf32, #tpu.memory_space<vmem>>, vector<16xf32>,
    %get3A_157 = vector.shape_cast %get3A_156 : vector<16xf32> to vector<16xf32>
    %add3A_158 = arith.addf %get3A_154, %get3A_157 : vector<16xf32>
    %max3A_159 = arith.constant 0.000000e+00 : f32
    %max3A_160 = vector.broadcast %max3A_159 : f32 to vector<16xf32>
    %max3A_161 = arith.maximumf %add3A_158, %max3A_160 : vector<16xf32>
    %max3A_162 = arith.constant 0.000000e+00 : f32
    %max3A_163 = vector.broadcast %max3A_162 : f32 to vector<16xf32>
    %max3A_164 = arith.maximumf %add3A_141, %max3A_163 : vector<16xf32>
    %convert_element_type3A_165 = arith.sitofp %get3A_110 : vector<16xi32> to vector<16xf32>
    %add3A_166 = arith.addf %convert_element_type3A_165, %max3A_161 : vector<16xf32>
    %div3A_167 = arith.constant 2.000000e+00 : f32
    %div3A_168 = vector.broadcast %div3A_167 : f32 to vector<16xf32>
    %div3A_169 = arith.divf %max3A_164, %div3A_168 : vector<16xf32>
    %sub3A_170 = arith.subf %add3A_166, %div3A_169 : vector<16xf32>
    %jit3A_171 = arith.constant 0.000000e+00 : f32
    %jit3A_172 = arith.constant 1.999900e+04 : f32
    %max3A_173 = vector.broadcast %jit3A_171 : f32 to vector<16xf32>
    %max3A_174 = arith.maximumf %max3A_173, %sub3A_170 : vector<16xf32>
    %min3A_175 = vector.broadcast %jit3A_172 : f32 to vector<16xf32>
    %min3A_176 = arith.minimumf %min3A_175, %max3A_174 : vector<16xf32>
    %mul3A_177 = arith.constant 2.000000e+00 : f32
    %mul3A_178 = vector.broadcast %mul3A_177 : f32 to vector<16xf32>
    %mul3A_179 = arith.mulf %min3A_176, %mul3A_178 : vector<16xf32>
    %div3A_180 = arith.constant 2.000000e+00 : f32
    %div3A_181 = vector.broadcast %div3A_180 : f32 to vector<16xf32>
    %div3A_182 = arith.divf %max3A_164, %div3A_181 : vector<16xf32>
    %add3A_183 = arith.addf %add3A_166, %div3A_182 : vector<16xf32>
    %jit3A_184 = arith.constant 0.000000e+00 : f32
    %jit3A_185 = arith.constant 1.999900e+04 : f32
    %max3A_186 = vector.broadcast %jit3A_184 : f32 to vector<16xf32>
    %max3A_187 = arith.maximumf %max3A_186, %add3A_183 : vector<16xf32>
    %min3A_188 = vector.broadcast %jit3A_185 : f32 to vector<16xf32>
    %min3A_189 = arith.minimumf %min3A_188, %max3A_187 : vector<16xf32>
    %mul3A_190 = arith.constant 2.000000e+00 : f32
    %mul3A_191 = vector.broadcast %mul3A_190 : f32 to vector<16xf32>
    %mul3A_192 = arith.mulf %min3A_189, %mul3A_191 : vector<16xf32>
    %add3A_193 = arith.constant 2.000000e+00 : f32
    %add3A_194 = vector.broadcast %add3A_193 : f32 to vector<16xf32>
    %add3A_195 = arith.addf %mul3A_192, %add3A_194 : vector<16xf32>
    %swap3A_196 = arith.constant 0 : index
    %swap3A_197 = tpu.vector_load %arg9[%swap3A_196] {strides = array<i32>} : memref<16xf32, #tpu.memory_space<vmem>>, vector<16xf32>,
    %swap3A_198 = vector.shape_cast %swap3A_197 : vector<16xf32> to vector<16xf32>
    %swap3A_199 = vector.shape_cast %mul3A_179 : vector<16xf32> to vector<16xf32>
    tpu.vector_store %arg9[%swap3A_196], %swap3A_199 {strides = array<i32>} : memref<16xf32, #tpu.memory_space<vmem>>, vector<16xf32>,
    %add3A_200 = arith.constant 16 : i32
    %add3A_201 = arith.addi %mul3A_0, %add3A_200 : i32
    "tpu.region"() ({
      %run_scoped3A = tpu.sem_alloc : memref<!tpu.dma_semaphore, #tpu.memory_space<semaphore_mem>>
      %dma_start3A_408 = tpu.memref_slice %arg5[%add3A_201] : memref<1024xf32, #tpu.memory_space<hbm>> -> memref<16xf32, #tpu.memory_space<hbm>>
      %dma_start3A_409 = tpu.memref_slice %arg5[%add3A_201] : memref<1024xf32, #tpu.memory_space<hbm>> -> memref<16xf32, #tpu.memory_space<hbm>>
      tpu.enqueue_dma source(%arg9 : memref<16xf32, #tpu.memory_space<vmem>>) target(%dma_start3A_409 : memref<16xf32, #tpu.memory_space<hbm>>) target_semaphore(%run_scoped3A : memref<!tpu.dma_semaphore, #tpu.memory_space<semaphore_mem>>)
      %dma_wait3A_410 = tpu.memref_slice %arg5[%add3A_201] : memref<1024xf32, #tpu.memory_space<hbm>> -> memref<16xf32, #tpu.memory_space<hbm>>
      %dma_wait3A_411 = tpu.memref_slice %arg5[%add3A_201] : memref<1024xf32, #tpu.memory_space<hbm>> -> memref<16xf32, #tpu.memory_space<hbm>>
      tpu.wait_dma2 semaphore(%run_scoped3A : memref<!tpu.dma_semaphore, #tpu.memory_space<semaphore_mem>>) src(%arg9 : memref<16xf32, #tpu.memory_space<vmem>>) dst(%dma_wait3A_411 : memref<16xf32, #tpu.memory_space<hbm>>)
      tpu.yield
    }) : () -> ()
    %swap3A_202 = arith.constant 0 : index
    %swap3A_203 = tpu.vector_load %arg9[%swap3A_202] {strides = array<i32>} : memref<16xf32, #tpu.memory_space<vmem>>, vector<16xf32>,
    %swap3A_204 = vector.shape_cast %swap3A_203 : vector<16xf32> to vector<16xf32>
    %swap3A_205 = vector.shape_cast %add3A_195 : vector<16xf32> to vector<16xf32>
    tpu.vector_store %arg9[%swap3A_202], %swap3A_205 {strides = array<i32>} : memref<16xf32, #tpu.memory_space<vmem>>, vector<16xf32>,
    %add3A_206 = arith.constant 16 : i32
    %add3A_207 = arith.addi %mul3A_0, %add3A_206 : i32
    "tpu.region"() ({
      %run_scoped3A = tpu.sem_alloc : memref<!tpu.dma_semaphore, #tpu.memory_space<semaphore_mem>>
      %dma_start3A_408 = tpu.memref_slice %arg6[%add3A_207] : memref<1024xf32, #tpu.memory_space<hbm>> -> memref<16xf32, #tpu.memory_space<hbm>>
      %dma_start3A_409 = tpu.memref_slice %arg6[%add3A_207] : memref<1024xf32, #tpu.memory_space<hbm>> -> memref<16xf32, #tpu.memory_space<hbm>>
      tpu.enqueue_dma source(%arg9 : memref<16xf32, #tpu.memory_space<vmem>>) target(%dma_start3A_409 : memref<16xf32, #tpu.memory_space<hbm>>) target_semaphore(%run_scoped3A : memref<!tpu.dma_semaphore, #tpu.memory_space<semaphore_mem>>)
      %dma_wait3A_410 = tpu.memref_slice %arg6[%add3A_207] : memref<1024xf32, #tpu.memory_space<hbm>> -> memref<16xf32, #tpu.memory_space<hbm>>
      %dma_wait3A_411 = tpu.memref_slice %arg6[%add3A_207] : memref<1024xf32, #tpu.memory_space<hbm>> -> memref<16xf32, #tpu.memory_space<hbm>>
      tpu.wait_dma2 semaphore(%run_scoped3A : memref<!tpu.dma_semaphore, #tpu.memory_space<semaphore_mem>>) src(%arg9 : memref<16xf32, #tpu.memory_space<vmem>>) dst(%dma_wait3A_411 : memref<16xf32, #tpu.memory_space<hbm>>)
      tpu.yield
    }) : () -> ()
    %get3A_208 = arith.constant 32 : index
    %get3A_209 = tpu.vector_load %arg7[%get3A_208] {strides = array<i32>} : memref<64xi32, #tpu.memory_space<vmem>>, vector<16xi32>,
    %get3A_210 = vector.shape_cast %get3A_209 : vector<16xi32> to vector<16xi32>
    %shift_right_logical3A_211 = arith.constant 9 : i32
    %shift_right_logical3A_212 = vector.broadcast %shift_right_logical3A_211 : i32 to vector<16xi32>
    %shift_right_logical3A_213 = arith.shrui %get3A_210, %shift_right_logical3A_212 : vector<16xi32>
    %and3A_214 = arith.constant 511 : i32
    %and3A_215 = vector.broadcast %and3A_214 : i32 to vector<16xi32>
    %and3A_216 = arith.andi %get3A_210, %and3A_215 : vector<16xi32>
    %mul3A_217 = arith.constant 4096 : i32
    %mul3A_218 = vector.broadcast %mul3A_217 : i32 to vector<16xi32>
    %mul3A_219 = arith.muli %shift_right_logical3A_213, %mul3A_218 : vector<16xi32>
    %mul3A_220 = arith.constant 512 : i32
    %mul3A_221 = arith.muli %select_n3A, %mul3A_220 : i32
    %add3A_222 = vector.broadcast %mul3A_221 : i32 to vector<16xi32>
    %add3A_223 = arith.addi %mul3A_219, %add3A_222 : vector<16xi32>
    %add3A_224 = arith.addi %add3A_223, %and3A_216 : vector<16xi32>
    %mul3A_225 = arith.constant 3 : i32
    %mul3A_226 = vector.broadcast %mul3A_225 : i32 to vector<16xi32>
    %mul3A_227 = arith.muli %add3A_224, %mul3A_226 : vector<16xi32>
    %add3A_228 = arith.constant 1 : i32
    %add3A_229 = vector.broadcast %add3A_228 : i32 to vector<16xi32>
    %add3A_230 = arith.addi %mul3A_227, %add3A_229 : vector<16xi32>
    %dma_start3A_231 = arith.constant 0 : i32
    %dma_start3A_232 = tpu.memref_slice %arg3[%dma_start3A_231] : memref<491520xf32, #tpu.memory_space<hbm>> -> memref<491520xf32, #tpu.memory_space<hbm>>
    tpu.enqueue_indirect_dma source(%dma_start3A_232 : memref<491520xf32, #tpu.memory_space<hbm>>) target(%arg9 : memref<16xf32, #tpu.memory_space<vmem>>) offsets(%add3A_230 : vector<16xi32>) semaphore(%arg10 : memref<!tpu.dma_semaphore, #tpu.memory_space<semaphore_mem>>)
    %dma_wait3A_233 = arith.constant 0 : i32
    %dma_wait3A_234 = tpu.memref_slice %arg3[%dma_wait3A_233] : memref<491520xf32, #tpu.memory_space<hbm>> -> memref<491520xf32, #tpu.memory_space<hbm>>
    tpu.wait_indirect_dma semaphore(%arg10 : memref<!tpu.dma_semaphore, #tpu.memory_space<semaphore_mem>>) src(%dma_wait3A_234 : memref<491520xf32, #tpu.memory_space<hbm>>) dst(%arg9 : memref<16xf32, #tpu.memory_space<vmem>>)
    %get3A_235 = arith.constant 0 : index
    %get3A_236 = tpu.vector_load %arg9[%get3A_235] {strides = array<i32>} : memref<16xf32, #tpu.memory_space<vmem>>, vector<16xf32>,
    %get3A_237 = vector.shape_cast %get3A_236 : vector<16xf32> to vector<16xf32>
    %get3A_238 = arith.constant 0 : index
    %get3A_239 = tpu.vector_load %arg8[%get3A_238] {strides = array<i32>} : memref<32xf32, #tpu.memory_space<vmem>>, vector<16xf32>,
    %get3A_240 = vector.shape_cast %get3A_239 : vector<16xf32> to vector<16xf32>
    %add3A_241 = arith.addf %get3A_237, %get3A_240 : vector<16xf32>
    %mul3A_242 = arith.constant 3 : i32
    %mul3A_243 = vector.broadcast %mul3A_242 : i32 to vector<16xi32>
    %mul3A_244 = arith.muli %add3A_224, %mul3A_243 : vector<16xi32>
    %add3A_245 = arith.constant 2 : i32
    %add3A_246 = vector.broadcast %add3A_245 : i32 to vector<16xi32>
    %add3A_247 = arith.addi %mul3A_244, %add3A_246 : vector<16xi32>
    %dma_start3A_248 = arith.constant 0 : i32
    %dma_start3A_249 = tpu.memref_slice %arg3[%dma_start3A_248] : memref<491520xf32, #tpu.memory_space<hbm>> -> memref<491520xf32, #tpu.memory_space<hbm>>
    tpu.enqueue_indirect_dma source(%dma_start3A_249 : memref<491520xf32, #tpu.memory_space<hbm>>) target(%arg9 : memref<16xf32, #tpu.memory_space<vmem>>) offsets(%add3A_247 : vector<16xi32>) semaphore(%arg10 : memref<!tpu.dma_semaphore, #tpu.memory_space<semaphore_mem>>)
    %dma_wait3A_250 = arith.constant 0 : i32
    %dma_wait3A_251 = tpu.memref_slice %arg3[%dma_wait3A_250] : memref<491520xf32, #tpu.memory_space<hbm>> -> memref<491520xf32, #tpu.memory_space<hbm>>
    tpu.wait_indirect_dma semaphore(%arg10 : memref<!tpu.dma_semaphore, #tpu.memory_space<semaphore_mem>>) src(%dma_wait3A_251 : memref<491520xf32, #tpu.memory_space<hbm>>) dst(%arg9 : memref<16xf32, #tpu.memory_space<vmem>>)
    %get3A_252 = arith.constant 0 : index
    %get3A_253 = tpu.vector_load %arg9[%get3A_252] {strides = array<i32>} : memref<16xf32, #tpu.memory_space<vmem>>, vector<16xf32>,
    %get3A_254 = vector.shape_cast %get3A_253 : vector<16xf32> to vector<16xf32>
    %get3A_255 = arith.constant 16 : index
    %get3A_256 = tpu.vector_load %arg8[%get3A_255] {strides = array<i32>} : memref<32xf32, #tpu.memory_space<vmem>>, vector<16xf32>,
    %get3A_257 = vector.shape_cast %get3A_256 : vector<16xf32> to vector<16xf32>
    %add3A_258 = arith.addf %get3A_254, %get3A_257 : vector<16xf32>
    %max3A_259 = arith.constant 0.000000e+00 : f32
    %max3A_260 = vector.broadcast %max3A_259 : f32 to vector<16xf32>
    %max3A_261 = arith.maximumf %add3A_258, %max3A_260 : vector<16xf32>
    %max3A_262 = arith.constant 0.000000e+00 : f32
    %max3A_263 = vector.broadcast %max3A_262 : f32 to vector<16xf32>
    %max3A_264 = arith.maximumf %add3A_241, %max3A_263 : vector<16xf32>
    %convert_element_type3A_265 = arith.sitofp %get3A_210 : vector<16xi32> to vector<16xf32>
    %add3A_266 = arith.addf %convert_element_type3A_265, %max3A_261 : vector<16xf32>
    %div3A_267 = arith.constant 2.000000e+00 : f32
    %div3A_268 = vector.broadcast %div3A_267 : f32 to vector<16xf32>
    %div3A_269 = arith.divf %max3A_264, %div3A_268 : vector<16xf32>
    %sub3A_270 = arith.subf %add3A_266, %div3A_269 : vector<16xf32>
    %jit3A_271 = arith.constant 0.000000e+00 : f32
    %jit3A_272 = arith.constant 1.999900e+04 : f32
    %max3A_273 = vector.broadcast %jit3A_271 : f32 to vector<16xf32>
    %max3A_274 = arith.maximumf %max3A_273, %sub3A_270 : vector<16xf32>
    %min3A_275 = vector.broadcast %jit3A_272 : f32 to vector<16xf32>
    %min3A_276 = arith.minimumf %min3A_275, %max3A_274 : vector<16xf32>
    %mul3A_277 = arith.constant 2.000000e+00 : f32
    %mul3A_278 = vector.broadcast %mul3A_277 : f32 to vector<16xf32>
    %mul3A_279 = arith.mulf %min3A_276, %mul3A_278 : vector<16xf32>
    %div3A_280 = arith.constant 2.000000e+00 : f32
    %div3A_281 = vector.broadcast %div3A_280 : f32 to vector<16xf32>
    %div3A_282 = arith.divf %max3A_264, %div3A_281 : vector<16xf32>
    %add3A_283 = arith.addf %add3A_266, %div3A_282 : vector<16xf32>
    %jit3A_284 = arith.constant 0.000000e+00 : f32
    %jit3A_285 = arith.constant 1.999900e+04 : f32
    %max3A_286 = vector.broadcast %jit3A_284 : f32 to vector<16xf32>
    %max3A_287 = arith.maximumf %max3A_286, %add3A_283 : vector<16xf32>
    %min3A_288 = vector.broadcast %jit3A_285 : f32 to vector<16xf32>
    %min3A_289 = arith.minimumf %min3A_288, %max3A_287 : vector<16xf32>
    %mul3A_290 = arith.constant 2.000000e+00 : f32
    %mul3A_291 = vector.broadcast %mul3A_290 : f32 to vector<16xf32>
    %mul3A_292 = arith.mulf %min3A_289, %mul3A_291 : vector<16xf32>
    %add3A_293 = arith.constant 2.000000e+00 : f32
    %add3A_294 = vector.broadcast %add3A_293 : f32 to vector<16xf32>
    %add3A_295 = arith.addf %mul3A_292, %add3A_294 : vector<16xf32>
    %swap3A_296 = arith.constant 0 : index
    %swap3A_297 = tpu.vector_load %arg9[%swap3A_296] {strides = array<i32>} : memref<16xf32, #tpu.memory_space<vmem>>, vector<16xf32>,
    %swap3A_298 = vector.shape_cast %swap3A_297 : vector<16xf32> to vector<16xf32>
    %swap3A_299 = vector.shape_cast %mul3A_279 : vector<16xf32> to vector<16xf32>
    tpu.vector_store %arg9[%swap3A_296], %swap3A_299 {strides = array<i32>} : memref<16xf32, #tpu.memory_space<vmem>>, vector<16xf32>,
    %add3A_300 = arith.constant 32 : i32
    %add3A_301 = arith.addi %mul3A_0, %add3A_300 : i32
    "tpu.region"() ({
      %run_scoped3A = tpu.sem_alloc : memref<!tpu.dma_semaphore, #tpu.memory_space<semaphore_mem>>
      %dma_start3A_408 = tpu.memref_slice %arg5[%add3A_301] : memref<1024xf32, #tpu.memory_space<hbm>> -> memref<16xf32, #tpu.memory_space<hbm>>
      %dma_start3A_409 = tpu.memref_slice %arg5[%add3A_301] : memref<1024xf32, #tpu.memory_space<hbm>> -> memref<16xf32, #tpu.memory_space<hbm>>
      tpu.enqueue_dma source(%arg9 : memref<16xf32, #tpu.memory_space<vmem>>) target(%dma_start3A_409 : memref<16xf32, #tpu.memory_space<hbm>>) target_semaphore(%run_scoped3A : memref<!tpu.dma_semaphore, #tpu.memory_space<semaphore_mem>>)
      %dma_wait3A_410 = tpu.memref_slice %arg5[%add3A_301] : memref<1024xf32, #tpu.memory_space<hbm>> -> memref<16xf32, #tpu.memory_space<hbm>>
      %dma_wait3A_411 = tpu.memref_slice %arg5[%add3A_301] : memref<1024xf32, #tpu.memory_space<hbm>> -> memref<16xf32, #tpu.memory_space<hbm>>
      tpu.wait_dma2 semaphore(%run_scoped3A : memref<!tpu.dma_semaphore, #tpu.memory_space<semaphore_mem>>) src(%arg9 : memref<16xf32, #tpu.memory_space<vmem>>) dst(%dma_wait3A_411 : memref<16xf32, #tpu.memory_space<hbm>>)
      tpu.yield
    }) : () -> ()
    %swap3A_302 = arith.constant 0 : index
    %swap3A_303 = tpu.vector_load %arg9[%swap3A_302] {strides = array<i32>} : memref<16xf32, #tpu.memory_space<vmem>>, vector<16xf32>,
    %swap3A_304 = vector.shape_cast %swap3A_303 : vector<16xf32> to vector<16xf32>
    %swap3A_305 = vector.shape_cast %add3A_295 : vector<16xf32> to vector<16xf32>
    tpu.vector_store %arg9[%swap3A_302], %swap3A_305 {strides = array<i32>} : memref<16xf32, #tpu.memory_space<vmem>>, vector<16xf32>,
    %add3A_306 = arith.constant 32 : i32
    %add3A_307 = arith.addi %mul3A_0, %add3A_306 : i32
    "tpu.region"() ({
      %run_scoped3A = tpu.sem_alloc : memref<!tpu.dma_semaphore, #tpu.memory_space<semaphore_mem>>
      %dma_start3A_408 = tpu.memref_slice %arg6[%add3A_307] : memref<1024xf32, #tpu.memory_space<hbm>> -> memref<16xf32, #tpu.memory_space<hbm>>
      %dma_start3A_409 = tpu.memref_slice %arg6[%add3A_307] : memref<1024xf32, #tpu.memory_space<hbm>> -> memref<16xf32, #tpu.memory_space<hbm>>
      tpu.enqueue_dma source(%arg9 : memref<16xf32, #tpu.memory_space<vmem>>) target(%dma_start3A_409 : memref<16xf32, #tpu.memory_space<hbm>>) target_semaphore(%run_scoped3A : memref<!tpu.dma_semaphore, #tpu.memory_space<semaphore_mem>>)
      %dma_wait3A_410 = tpu.memref_slice %arg6[%add3A_307] : memref<1024xf32, #tpu.memory_space<hbm>> -> memref<16xf32, #tpu.memory_space<hbm>>
      %dma_wait3A_411 = tpu.memref_slice %arg6[%add3A_307] : memref<1024xf32, #tpu.memory_space<hbm>> -> memref<16xf32, #tpu.memory_space<hbm>>
      tpu.wait_dma2 semaphore(%run_scoped3A : memref<!tpu.dma_semaphore, #tpu.memory_space<semaphore_mem>>) src(%arg9 : memref<16xf32, #tpu.memory_space<vmem>>) dst(%dma_wait3A_411 : memref<16xf32, #tpu.memory_space<hbm>>)
      tpu.yield
    }) : () -> ()
    %get3A_308 = arith.constant 48 : index
    %get3A_309 = tpu.vector_load %arg7[%get3A_308] {strides = array<i32>} : memref<64xi32, #tpu.memory_space<vmem>>, vector<16xi32>,
    %get3A_310 = vector.shape_cast %get3A_309 : vector<16xi32> to vector<16xi32>
    %shift_right_logical3A_311 = arith.constant 9 : i32
    %shift_right_logical3A_312 = vector.broadcast %shift_right_logical3A_311 : i32 to vector<16xi32>
    %shift_right_logical3A_313 = arith.shrui %get3A_310, %shift_right_logical3A_312 : vector<16xi32>
    %and3A_314 = arith.constant 511 : i32
    %and3A_315 = vector.broadcast %and3A_314 : i32 to vector<16xi32>
    %and3A_316 = arith.andi %get3A_310, %and3A_315 : vector<16xi32>
    %mul3A_317 = arith.constant 4096 : i32
    %mul3A_318 = vector.broadcast %mul3A_317 : i32 to vector<16xi32>
    %mul3A_319 = arith.muli %shift_right_logical3A_313, %mul3A_318 : vector<16xi32>
    %mul3A_320 = arith.constant 512 : i32
    %mul3A_321 = arith.muli %select_n3A, %mul3A_320 : i32
    %add3A_322 = vector.broadcast %mul3A_321 : i32 to vector<16xi32>
    %add3A_323 = arith.addi %mul3A_319, %add3A_322 : vector<16xi32>
    %add3A_324 = arith.addi %add3A_323, %and3A_316 : vector<16xi32>
    %mul3A_325 = arith.constant 3 : i32
    %mul3A_326 = vector.broadcast %mul3A_325 : i32 to vector<16xi32>
    %mul3A_327 = arith.muli %add3A_324, %mul3A_326 : vector<16xi32>
    %add3A_328 = arith.constant 1 : i32
    %add3A_329 = vector.broadcast %add3A_328 : i32 to vector<16xi32>
    %add3A_330 = arith.addi %mul3A_327, %add3A_329 : vector<16xi32>
    %dma_start3A_331 = arith.constant 0 : i32
    %dma_start3A_332 = tpu.memref_slice %arg3[%dma_start3A_331] : memref<491520xf32, #tpu.memory_space<hbm>> -> memref<491520xf32, #tpu.memory_space<hbm>>
    tpu.enqueue_indirect_dma source(%dma_start3A_332 : memref<491520xf32, #tpu.memory_space<hbm>>) target(%arg9 : memref<16xf32, #tpu.memory_space<vmem>>) offsets(%add3A_330 : vector<16xi32>) semaphore(%arg10 : memref<!tpu.dma_semaphore, #tpu.memory_space<semaphore_mem>>)
    %dma_wait3A_333 = arith.constant 0 : i32
    %dma_wait3A_334 = tpu.memref_slice %arg3[%dma_wait3A_333] : memref<491520xf32, #tpu.memory_space<hbm>> -> memref<491520xf32, #tpu.memory_space<hbm>>
    tpu.wait_indirect_dma semaphore(%arg10 : memref<!tpu.dma_semaphore, #tpu.memory_space<semaphore_mem>>) src(%dma_wait3A_334 : memref<491520xf32, #tpu.memory_space<hbm>>) dst(%arg9 : memref<16xf32, #tpu.memory_space<vmem>>)
    %get3A_335 = arith.constant 0 : index
    %get3A_336 = tpu.vector_load %arg9[%get3A_335] {strides = array<i32>} : memref<16xf32, #tpu.memory_space<vmem>>, vector<16xf32>,
    %get3A_337 = vector.shape_cast %get3A_336 : vector<16xf32> to vector<16xf32>
    %get3A_338 = arith.constant 0 : index
    %get3A_339 = tpu.vector_load %arg8[%get3A_338] {strides = array<i32>} : memref<32xf32, #tpu.memory_space<vmem>>, vector<16xf32>,
    %get3A_340 = vector.shape_cast %get3A_339 : vector<16xf32> to vector<16xf32>
    %add3A_341 = arith.addf %get3A_337, %get3A_340 : vector<16xf32>
    %mul3A_342 = arith.constant 3 : i32
    %mul3A_343 = vector.broadcast %mul3A_342 : i32 to vector<16xi32>
    %mul3A_344 = arith.muli %add3A_324, %mul3A_343 : vector<16xi32>
    %add3A_345 = arith.constant 2 : i32
    %add3A_346 = vector.broadcast %add3A_345 : i32 to vector<16xi32>
    %add3A_347 = arith.addi %mul3A_344, %add3A_346 : vector<16xi32>
    %dma_start3A_348 = arith.constant 0 : i32
    %dma_start3A_349 = tpu.memref_slice %arg3[%dma_start3A_348] : memref<491520xf32, #tpu.memory_space<hbm>> -> memref<491520xf32, #tpu.memory_space<hbm>>
    tpu.enqueue_indirect_dma source(%dma_start3A_349 : memref<491520xf32, #tpu.memory_space<hbm>>) target(%arg9 : memref<16xf32, #tpu.memory_space<vmem>>) offsets(%add3A_347 : vector<16xi32>) semaphore(%arg10 : memref<!tpu.dma_semaphore, #tpu.memory_space<semaphore_mem>>)
    %dma_wait3A_350 = arith.constant 0 : i32
    %dma_wait3A_351 = tpu.memref_slice %arg3[%dma_wait3A_350] : memref<491520xf32, #tpu.memory_space<hbm>> -> memref<491520xf32, #tpu.memory_space<hbm>>
    tpu.wait_indirect_dma semaphore(%arg10 : memref<!tpu.dma_semaphore, #tpu.memory_space<semaphore_mem>>) src(%dma_wait3A_351 : memref<491520xf32, #tpu.memory_space<hbm>>) dst(%arg9 : memref<16xf32, #tpu.memory_space<vmem>>)
    %get3A_352 = arith.constant 0 : index
    %get3A_353 = tpu.vector_load %arg9[%get3A_352] {strides = array<i32>} : memref<16xf32, #tpu.memory_space<vmem>>, vector<16xf32>,
    %get3A_354 = vector.shape_cast %get3A_353 : vector<16xf32> to vector<16xf32>
    %get3A_355 = arith.constant 16 : index
    %get3A_356 = tpu.vector_load %arg8[%get3A_355] {strides = array<i32>} : memref<32xf32, #tpu.memory_space<vmem>>, vector<16xf32>,
    %get3A_357 = vector.shape_cast %get3A_356 : vector<16xf32> to vector<16xf32>
    %add3A_358 = arith.addf %get3A_354, %get3A_357 : vector<16xf32>
    %max3A_359 = arith.constant 0.000000e+00 : f32
    %max3A_360 = vector.broadcast %max3A_359 : f32 to vector<16xf32>
    %max3A_361 = arith.maximumf %add3A_358, %max3A_360 : vector<16xf32>
    %max3A_362 = arith.constant 0.000000e+00 : f32
    %max3A_363 = vector.broadcast %max3A_362 : f32 to vector<16xf32>
    %max3A_364 = arith.maximumf %add3A_341, %max3A_363 : vector<16xf32>
    %convert_element_type3A_365 = arith.sitofp %get3A_310 : vector<16xi32> to vector<16xf32>
    %add3A_366 = arith.addf %convert_element_type3A_365, %max3A_361 : vector<16xf32>
    %div3A_367 = arith.constant 2.000000e+00 : f32
    %div3A_368 = vector.broadcast %div3A_367 : f32 to vector<16xf32>
    %div3A_369 = arith.divf %max3A_364, %div3A_368 : vector<16xf32>
    %sub3A_370 = arith.subf %add3A_366, %div3A_369 : vector<16xf32>
    %jit3A_371 = arith.constant 0.000000e+00 : f32
    %jit3A_372 = arith.constant 1.999900e+04 : f32
    %max3A_373 = vector.broadcast %jit3A_371 : f32 to vector<16xf32>
    %max3A_374 = arith.maximumf %max3A_373, %sub3A_370 : vector<16xf32>
    %min3A_375 = vector.broadcast %jit3A_372 : f32 to vector<16xf32>
    %min3A_376 = arith.minimumf %min3A_375, %max3A_374 : vector<16xf32>
    %mul3A_377 = arith.constant 2.000000e+00 : f32
    %mul3A_378 = vector.broadcast %mul3A_377 : f32 to vector<16xf32>
    %mul3A_379 = arith.mulf %min3A_376, %mul3A_378 : vector<16xf32>
    %div3A_380 = arith.constant 2.000000e+00 : f32
    %div3A_381 = vector.broadcast %div3A_380 : f32 to vector<16xf32>
    %div3A_382 = arith.divf %max3A_364, %div3A_381 : vector<16xf32>
    %add3A_383 = arith.addf %add3A_366, %div3A_382 : vector<16xf32>
    %jit3A_384 = arith.constant 0.000000e+00 : f32
    %jit3A_385 = arith.constant 1.999900e+04 : f32
    %max3A_386 = vector.broadcast %jit3A_384 : f32 to vector<16xf32>
    %max3A_387 = arith.maximumf %max3A_386, %add3A_383 : vector<16xf32>
    %min3A_388 = vector.broadcast %jit3A_385 : f32 to vector<16xf32>
    %min3A_389 = arith.minimumf %min3A_388, %max3A_387 : vector<16xf32>
    %mul3A_390 = arith.constant 2.000000e+00 : f32
    %mul3A_391 = vector.broadcast %mul3A_390 : f32 to vector<16xf32>
    %mul3A_392 = arith.mulf %min3A_389, %mul3A_391 : vector<16xf32>
    %add3A_393 = arith.constant 2.000000e+00 : f32
    %add3A_394 = vector.broadcast %add3A_393 : f32 to vector<16xf32>
    %add3A_395 = arith.addf %mul3A_392, %add3A_394 : vector<16xf32>
    %swap3A_396 = arith.constant 0 : index
    %swap3A_397 = tpu.vector_load %arg9[%swap3A_396] {strides = array<i32>} : memref<16xf32, #tpu.memory_space<vmem>>, vector<16xf32>,
    %swap3A_398 = vector.shape_cast %swap3A_397 : vector<16xf32> to vector<16xf32>
    %swap3A_399 = vector.shape_cast %mul3A_379 : vector<16xf32> to vector<16xf32>
    tpu.vector_store %arg9[%swap3A_396], %swap3A_399 {strides = array<i32>} : memref<16xf32, #tpu.memory_space<vmem>>, vector<16xf32>,
    %add3A_400 = arith.constant 48 : i32
    %add3A_401 = arith.addi %mul3A_0, %add3A_400 : i32
    "tpu.region"() ({
      %run_scoped3A = tpu.sem_alloc : memref<!tpu.dma_semaphore, #tpu.memory_space<semaphore_mem>>
      %dma_start3A_408 = tpu.memref_slice %arg5[%add3A_401] : memref<1024xf32, #tpu.memory_space<hbm>> -> memref<16xf32, #tpu.memory_space<hbm>>
      %dma_start3A_409 = tpu.memref_slice %arg5[%add3A_401] : memref<1024xf32, #tpu.memory_space<hbm>> -> memref<16xf32, #tpu.memory_space<hbm>>
      tpu.enqueue_dma source(%arg9 : memref<16xf32, #tpu.memory_space<vmem>>) target(%dma_start3A_409 : memref<16xf32, #tpu.memory_space<hbm>>) target_semaphore(%run_scoped3A : memref<!tpu.dma_semaphore, #tpu.memory_space<semaphore_mem>>)
      %dma_wait3A_410 = tpu.memref_slice %arg5[%add3A_401] : memref<1024xf32, #tpu.memory_space<hbm>> -> memref<16xf32, #tpu.memory_space<hbm>>
      %dma_wait3A_411 = tpu.memref_slice %arg5[%add3A_401] : memref<1024xf32, #tpu.memory_space<hbm>> -> memref<16xf32, #tpu.memory_space<hbm>>
      tpu.wait_dma2 semaphore(%run_scoped3A : memref<!tpu.dma_semaphore, #tpu.memory_space<semaphore_mem>>) src(%arg9 : memref<16xf32, #tpu.memory_space<vmem>>) dst(%dma_wait3A_411 : memref<16xf32, #tpu.memory_space<hbm>>)
      tpu.yield
    }) : () -> ()
    %swap3A_402 = arith.constant 0 : index
    %swap3A_403 = tpu.vector_load %arg9[%swap3A_402] {strides = array<i32>} : memref<16xf32, #tpu.memory_space<vmem>>, vector<16xf32>,
    %swap3A_404 = vector.shape_cast %swap3A_403 : vector<16xf32> to vector<16xf32>
    %swap3A_405 = vector.shape_cast %add3A_395 : vector<16xf32> to vector<16xf32>
    tpu.vector_store %arg9[%swap3A_402], %swap3A_405 {strides = array<i32>} : memref<16xf32, #tpu.memory_space<vmem>>, vector<16xf32>,
    %add3A_406 = arith.constant 48 : i32
    %add3A_407 = arith.addi %mul3A_0, %add3A_406 : i32
    "tpu.region"() ({
      %run_scoped3A = tpu.sem_alloc : memref<!tpu.dma_semaphore, #tpu.memory_space<semaphore_mem>>
      %dma_start3A_408 = tpu.memref_slice %arg6[%add3A_407] : memref<1024xf32, #tpu.memory_space<hbm>> -> memref<16xf32, #tpu.memory_space<hbm>>
      %dma_start3A_409 = tpu.memref_slice %arg6[%add3A_407] : memref<1024xf32, #tpu.memory_space<hbm>> -> memref<16xf32, #tpu.memory_space<hbm>>
      tpu.enqueue_dma source(%arg9 : memref<16xf32, #tpu.memory_space<vmem>>) target(%dma_start3A_409 : memref<16xf32, #tpu.memory_space<hbm>>) target_semaphore(%run_scoped3A : memref<!tpu.dma_semaphore, #tpu.memory_space<semaphore_mem>>)
      %dma_wait3A_410 = tpu.memref_slice %arg6[%add3A_407] : memref<1024xf32, #tpu.memory_space<hbm>> -> memref<16xf32, #tpu.memory_space<hbm>>
      %dma_wait3A_411 = tpu.memref_slice %arg6[%add3A_407] : memref<1024xf32, #tpu.memory_space<hbm>> -> memref<16xf32, #tpu.memory_space<hbm>>
      tpu.wait_dma2 semaphore(%run_scoped3A : memref<!tpu.dma_semaphore, #tpu.memory_space<semaphore_mem>>) src(%arg9 : memref<16xf32, #tpu.memory_space<vmem>>) dst(%dma_wait3A_411 : memref<16xf32, #tpu.memory_space<hbm>>)
      tpu.yield
    }) : () -> ()
    return
  }
}

module attributes {stable_mosaic.version = 14 : i64} {
  func.func @_heads_decode_kernel(%arg0: i32, %arg1: memref<8x512x256xf32, #tpu.memory_space<vmem>>, %arg2: memref<256x3xf32, #tpu.memory_space<vmem>>, %arg3: memref<8x3xf32, #tpu.memory_space<vmem>>, %arg4: memref<8x512xf32, #tpu.memory_space<vmem>>, %arg5: memref<4096x3xf32, #tpu.memory_space<vmem>>, %arg6: memref<8x100xf32, #tpu.memory_space<vmem>>, %arg7: memref<8x128xi32, #tpu.memory_space<vmem>>, %arg8: memref<8x20480xf32, #tpu.memory_space<vmem>>, %arg9: memref<8x20480xf32, #tpu.memory_space<vmem>>) attributes {dimension_semantics = [#tpu.dimension_semantics<arbitrary>], iteration_bounds = array<i64: 40>, scalar_prefetch = 0 : i64, scratch_operands = 2 : i64, tpu.core_type = #tpu.core_type<tc>, window_params = [{transform_indices = @transform_0, window_bounds = array<i64: 8, 512, 256>}, {pipeline_mode = #tpu.pipeline_mode<synchronous>, transform_indices = @transform_1, window_bounds = array<i64: 256, 3>}, {pipeline_mode = #tpu.pipeline_mode<synchronous>, transform_indices = @transform_2, window_bounds = array<i64: 8, 3>}, {transform_indices = @transform_3, window_bounds = array<i64: 8, 512>}, {transform_indices = @transform_4, window_bounds = array<i64: 4096, 3>}, {pipeline_mode = #tpu.pipeline_mode<synchronous>, transform_indices = @transform_5, window_bounds = array<i64: 8, 100>}, {pipeline_mode = #tpu.pipeline_mode<synchronous>, transform_indices = @transform_6, window_bounds = array<i64: 8, 128>}]} {
    %get3A = arith.constant 0 : index
    %get3A_0 = arith.constant 0 : index
    %get3A_1 = arith.constant 0 : index
    %get3A_2 = vector.load %arg1[%get3A, %get3A_0, %get3A_1] : memref<8x512x256xf32, #tpu.memory_space<vmem>>, vector<8x512x256xf32>
    %reshape3A = vector.shape_cast %get3A_2 : vector<8x512x256xf32> to vector<4096x256xf32>
    %get3A_3 = arith.constant 0 : index
    %get3A_4 = arith.constant 0 : index
    %get3A_5 = vector.load %arg2[%get3A_3, %get3A_4] : memref<256x3xf32, #tpu.memory_space<vmem>>, vector<256x3xf32>
    %dot_general3A = arith.constant dense<0.000000e+00> : vector<4096x3xf32>
    %dot_general3A_6 = tpu.matmul %reshape3A, %get3A_5, %dot_general3A {dimension_numbers = #tpu.dot_dimension_numbers<[1], [0], [0], [1], [0, 0, 1, 1], [], []>, transpose_lhs_hint = false} : vector<4096x256xf32>, vector<256x3xf32>, vector<4096x3xf32> -> vector<4096x3xf32>
    %swap3A = arith.constant 0 : index
    %swap3A_7 = arith.constant 0 : index
    %swap3A_8 = vector.load %arg5[%swap3A, %swap3A_7] : memref<4096x3xf32, #tpu.memory_space<vmem>>, vector<4096x3xf32>
    tpu.vector_store %arg5[%swap3A, %swap3A_7], %dot_general3A_6 {strides = array<i32>} : memref<4096x3xf32, #tpu.memory_space<vmem>>, vector<4096x3xf32>,
    %slice3A = vector.extract_strided_slice %dot_general3A_6 {offsets = [0, 0], sizes = [4096, 1], strides = [1, 1]} : vector<4096x3xf32> to vector<4096x1xf32>
    %reshape3A_9 = vector.shape_cast %slice3A : vector<4096x1xf32> to vector<8x512xf32>
    %get3A_10 = arith.constant 0 : index
    %get3A_11 = arith.constant 0 : index
    %get3A_12 = vector.load %arg3[%get3A_10, %get3A_11] : memref<8x3xf32, #tpu.memory_space<vmem>>, vector<8x1xf32>
    %add3A = vector.broadcast %get3A_12 : vector<8x1xf32> to vector<8x512xf32>
    %add3A_13 = arith.addf %reshape3A_9, %add3A : vector<8x512xf32>
    %mul3A = arith.constant 512 : i32
    %mul3A_14 = arith.muli %arg0, %mul3A : i32
    %iota3A = tpu.iota {dimensions = array<i32: 1>} : vector<8x512xi32>
    %add3A_15 = vector.broadcast %mul3A_14 : i32 to vector<8x512xi32>
    %add3A_16 = arith.addi %add3A_15, %iota3A : vector<8x512xi32>
    %get3A_17 = arith.constant 0 : index
    %get3A_18 = arith.constant 0 : index
    %get3A_19 = vector.load %arg4[%get3A_17, %get3A_18] : memref<8x512xf32, #tpu.memory_space<vmem>>, vector<8x512xf32>
    %ge3A = arith.constant 0.000000e+00 : f32
    %ge3A_20 = vector.broadcast %ge3A : f32 to vector<8x512xf32>
    %ge3A_21 = arith.cmpf oge, %get3A_19, %ge3A_20 : vector<8x512xf32>
    %lt3A = arith.constant 20000 : i32
    %lt3A_22 = vector.broadcast %lt3A : i32 to vector<8x512xi32>
    %lt3A_23 = arith.cmpi slt, %add3A_16, %lt3A_22 : vector<8x512xi32>
    %and3A = arith.andi %ge3A_21, %lt3A_23 : vector<8x512xi1>
    %logistic3A = arith.negf %add3A_13 : vector<8x512xf32>
    %logistic3A_24 = math.exp %logistic3A : vector<8x512xf32>
    %logistic3A_25 = arith.constant 1.000000e+00 : f32
    %logistic3A_26 = vector.broadcast %logistic3A_25 : f32 to vector<8x512xf32>
    %logistic3A_27 = arith.addf %logistic3A_26, %logistic3A_24 : vector<8x512xf32>
    %logistic3A_28 = arith.divf %logistic3A_26, %logistic3A_27 : vector<8x512xf32>
    %jit3A = arith.constant 0.000000e+00 : f32
    %broadcast_in_dim3A = vector.broadcast %jit3A : f32 to vector<8x512xf32>
    %select_n3A = arith.select %and3A, %logistic3A_28, %broadcast_in_dim3A : vector<8x512xi1>, vector<8x512xf32>
    %mul3A_29 = arith.constant 512 : i32
    %mul3A_30 = arith.muli %arg0, %mul3A_29 : i32
    %multiple_of3A = tpu.assume_multiple %mul3A_30, 512 : i32
    %swap3A_31 = arith.constant 0 : index
    %swap3A_32 = arith.index_cast %multiple_of3A : i32 to index
    %swap3A_33 = vector.load %arg8[%swap3A_31, %swap3A_32] : memref<8x20480xf32, #tpu.memory_space<vmem>>, vector<8x512xf32>
    tpu.vector_store %arg8[%swap3A_31, %swap3A_32], %select_n3A {strides = array<i32>} : memref<8x20480xf32, #tpu.memory_space<vmem>>, vector<8x512xf32>,
    %eq3A = arith.constant 39 : i32
    %eq3A_34 = arith.cmpi eq, %arg0, %eq3A : i32
    %convert_element_type3A = arith.extui %eq3A_34 : i1 to i32
    %cond3A = arith.constant 0 : i32
    %cond3A_35 = arith.cmpi ne, %convert_element_type3A, %cond3A : i32
    scf.if %cond3A_35 {
      %get3A_36 = arith.constant 0 : index
      %get3A_37 = arith.constant 0 : index
      %get3A_38 = vector.load %arg8[%get3A_36, %get3A_37] : memref<8x20480xf32, #tpu.memory_space<vmem>>, vector<8x20480xf32>
      %iota3A_39 = tpu.iota {dimensions = array<i32: 1>} : vector<8x20480xi32>
      %roll3A = arith.constant 20479 : i32
      %roll3A_40 = tpu.dynamic_rotate %get3A_38 by %roll3A dim 1 : vector<8x20480xf32>, i32 -> vector<8x20480xf32>
      %roll3A_41 = arith.constant 1 : i32
      %roll3A_42 = tpu.dynamic_rotate %get3A_38 by %roll3A_41 dim 1 : vector<8x20480xf32>, i32 -> vector<8x20480xf32>
      %eq3A_43 = arith.constant 20479 : i32
      %eq3A_44 = vector.broadcast %eq3A_43 : i32 to vector<8x20480xi32>
      %eq3A_45 = arith.cmpi eq, %iota3A_39, %eq3A_44 : vector<8x20480xi32>
      %jit3A_46 = arith.constant 0.000000e+00 : f32
      %broadcast_in_dim3A_47 = vector.broadcast %jit3A_46 : f32 to vector<8x20480xf32>
      %select_n3A_48 = arith.select %eq3A_45, %broadcast_in_dim3A_47, %roll3A_40 : vector<8x20480xi1>, vector<8x20480xf32>
      %eq3A_49 = arith.constant 0 : i32
      %eq3A_50 = vector.broadcast %eq3A_49 : i32 to vector<8x20480xi32>
      %eq3A_51 = arith.cmpi eq, %iota3A_39, %eq3A_50 : vector<8x20480xi32>
      %jit3A_52 = arith.constant 0.000000e+00 : f32
      %broadcast_in_dim3A_53 = vector.broadcast %jit3A_52 : f32 to vector<8x20480xf32>
      %select_n3A_54 = arith.select %eq3A_51, %broadcast_in_dim3A_53, %roll3A_42 : vector<8x20480xi1>, vector<8x20480xf32>
      %max3A = arith.maximumf %select_n3A_54, %select_n3A_48 : vector<8x20480xf32>
      %max3A_55 = arith.maximumf %get3A_38, %max3A : vector<8x20480xf32>
      %eq3A_56 = arith.cmpf oeq, %max3A_55, %get3A_38 : vector<8x20480xf32>
      %jit3A_57 = arith.constant 0.000000e+00 : f32
      %broadcast_in_dim3A_58 = vector.broadcast %jit3A_57 : f32 to vector<8x20480xf32>
      %select_n3A_59 = arith.select %eq3A_56, %get3A_38, %broadcast_in_dim3A_58 : vector<8x20480xi1>, vector<8x20480xf32>
      %swap3A_60 = arith.constant 0 : index
      %swap3A_61 = arith.constant 0 : index
      %swap3A_62 = vector.load %arg9[%swap3A_60, %swap3A_61] : memref<8x20480xf32, #tpu.memory_space<vmem>>, vector<8x20480xf32>
      tpu.vector_store %arg9[%swap3A_60, %swap3A_61], %select_n3A_59 {strides = array<i32>} : memref<8x20480xf32, #tpu.memory_space<vmem>>, vector<8x20480xf32>,
      %iota3A_63 = tpu.iota {dimensions = array<i32: 1>} : vector<8x128xi32>
      %broadcast_in_dim3A_64 = arith.constant 0.000000e+00 : f32
      %broadcast_in_dim3A_65 = vector.broadcast %broadcast_in_dim3A_64 : f32 to vector<8x128xf32>
      %broadcast_in_dim3A_66 = arith.constant 0 : i32
      %broadcast_in_dim3A_67 = vector.broadcast %broadcast_in_dim3A_66 : i32 to vector<8x128xi32>
      %scan3A = arith.constant 0 : i32
      %scan3A_68 = arith.constant 50 : i32
      %scan3A_69 = arith.addi %scan3A, %scan3A_68 : i32
      %scan3A_70 = arith.constant 1 : i32
      %scan3A_71:2 = scf.for %scan3A_80 = %scan3A to %scan3A_69 step %scan3A_70 iter_args(%scan3A_81 = %broadcast_in_dim3A_65, %scan3A_82 = %broadcast_in_dim3A_67) -> (vector<8x128xf32>, vector<8x128xi32>)  : i32 {
        %get3A_83 = arith.constant 0 : index
        %get3A_84 = arith.constant 0 : index
        %get3A_85 = vector.load %arg9[%get3A_83, %get3A_84] : memref<8x20480xf32, #tpu.memory_space<vmem>>, vector<8x20480xf32>
        %reduce_max3A = arith.constant dense<0xFF800000> : vector<8xf32>
        %reduce_max3A_86 = vector.multi_reduction <maximumf>, %get3A_85, %reduce_max3A [1] : vector<8x20480xf32> to vector<8xf32>
        %broadcast_in_dim3A_87 = vector.shape_cast %reduce_max3A_86 : vector<8xf32> to vector<8x1xf32>
        %eq3A_88 = vector.broadcast %broadcast_in_dim3A_87 : vector<8x1xf32> to vector<8x20480xf32>
        %eq3A_89 = arith.cmpf oeq, %get3A_85, %eq3A_88 : vector<8x20480xf32>
        %jit3A_90 = arith.constant 1073741824 : i32
        %broadcast_in_dim3A_91 = vector.broadcast %jit3A_90 : i32 to vector<8x20480xi32>
        %select_n3A_92 = arith.select %eq3A_89, %iota3A_39, %broadcast_in_dim3A_91 : vector<8x20480xi1>, vector<8x20480xi32>
        %reduce_min3A = arith.constant dense<2147483647> : vector<8xi32>
        %reduce_min3A_93 = vector.multi_reduction <minsi>, %select_n3A_92, %reduce_min3A [1] : vector<8x20480xi32> to vector<8xi32>
        %broadcast_in_dim3A_94 = vector.shape_cast %reduce_min3A_93 : vector<8xi32> to vector<8x1xi32>
        %eq3A_95 = vector.broadcast %broadcast_in_dim3A_94 : vector<8x1xi32> to vector<8x20480xi32>
        %eq3A_96 = arith.cmpi eq, %iota3A_39, %eq3A_95 : vector<8x20480xi32>
        %jit3A_97 = arith.constant -1.000000e+00 : f32
        %broadcast_in_dim3A_98 = vector.broadcast %jit3A_97 : f32 to vector<8x20480xf32>
        %select_n3A_99 = arith.select %eq3A_96, %broadcast_in_dim3A_98, %get3A_85 : vector<8x20480xi1>, vector<8x20480xf32>
        %reduce_max3A_100 = arith.constant dense<0xFF800000> : vector<8xf32>
        %reduce_max3A_101 = vector.multi_reduction <maximumf>, %select_n3A_99, %reduce_max3A_100 [1] : vector<8x20480xf32> to vector<8xf32>
        %broadcast_in_dim3A_102 = vector.shape_cast %reduce_max3A_101 : vector<8xf32> to vector<8x1xf32>
        %eq3A_103 = vector.broadcast %broadcast_in_dim3A_102 : vector<8x1xf32> to vector<8x20480xf32>
        %eq3A_104 = arith.cmpf oeq, %select_n3A_99, %eq3A_103 : vector<8x20480xf32>
        %jit3A_105 = arith.constant 1073741824 : i32
        %broadcast_in_dim3A_106 = vector.broadcast %jit3A_105 : i32 to vector<8x20480xi32>
        %select_n3A_107 = arith.select %eq3A_104, %iota3A_39, %broadcast_in_dim3A_106 : vector<8x20480xi1>, vector<8x20480xi32>
        %reduce_min3A_108 = arith.constant dense<2147483647> : vector<8xi32>
        %reduce_min3A_109 = vector.multi_reduction <minsi>, %select_n3A_107, %reduce_min3A_108 [1] : vector<8x20480xi32> to vector<8xi32>
        %broadcast_in_dim3A_110 = vector.shape_cast %reduce_min3A_109 : vector<8xi32> to vector<8x1xi32>
        %eq3A_111 = vector.broadcast %broadcast_in_dim3A_110 : vector<8x1xi32> to vector<8x20480xi32>
        %eq3A_112 = arith.cmpi eq, %iota3A_39, %eq3A_111 : vector<8x20480xi32>
        %jit3A_113 = arith.constant -1.000000e+00 : f32
        %broadcast_in_dim3A_114 = vector.broadcast %jit3A_113 : f32 to vector<8x20480xf32>
        %select_n3A_115 = arith.select %eq3A_112, %broadcast_in_dim3A_114, %select_n3A_99 : vector<8x20480xi1>, vector<8x20480xf32>
        %swap3A_116 = arith.constant 0 : index
        %swap3A_117 = arith.constant 0 : index
        %swap3A_118 = vector.load %arg9[%swap3A_116, %swap3A_117] : memref<8x20480xf32, #tpu.memory_space<vmem>>, vector<8x20480xf32>
        tpu.vector_store %arg9[%swap3A_116, %swap3A_117], %select_n3A_115 {strides = array<i32>} : memref<8x20480xf32, #tpu.memory_space<vmem>>, vector<8x20480xf32>,
        %mul3A_119 = arith.constant 2 : i32
        %mul3A_120 = arith.muli %mul3A_119, %scan3A_80 : i32
        %eq3A_121 = vector.broadcast %mul3A_120 : i32 to vector<8x128xi32>
        %eq3A_122 = arith.cmpi eq, %iota3A_63, %eq3A_121 : vector<8x128xi32>
        %mul3A_123 = arith.constant 2 : i32
        %mul3A_124 = arith.muli %mul3A_123, %scan3A_80 : i32
        %add3A_125 = arith.constant 1 : i32
        %add3A_126 = arith.addi %mul3A_124, %add3A_125 : i32
        %eq3A_127 = vector.broadcast %add3A_126 : i32 to vector<8x128xi32>
        %eq3A_128 = arith.cmpi eq, %iota3A_63, %eq3A_127 : vector<8x128xi32>
        %broadcast_in_dim3A_129 = vector.shape_cast %broadcast_in_dim3A_102 : vector<8x1xf32> to vector<8x1xf32>
        %broadcast_in_dim3A_130 = vector.broadcast %broadcast_in_dim3A_129 : vector<8x1xf32> to vector<8x128xf32>
        %select_n3A_131 = arith.select %eq3A_128, %broadcast_in_dim3A_130, %scan3A_81 : vector<8x128xi1>, vector<8x128xf32>
        %broadcast_in_dim3A_132 = vector.shape_cast %broadcast_in_dim3A_87 : vector<8x1xf32> to vector<8x1xf32>
        %broadcast_in_dim3A_133 = vector.broadcast %broadcast_in_dim3A_132 : vector<8x1xf32> to vector<8x128xf32>
        %select_n3A_134 = arith.select %eq3A_122, %broadcast_in_dim3A_133, %select_n3A_131 : vector<8x128xi1>, vector<8x128xf32>
        %broadcast_in_dim3A_135 = vector.shape_cast %broadcast_in_dim3A_110 : vector<8x1xi32> to vector<8x1xi32>
        %broadcast_in_dim3A_136 = vector.broadcast %broadcast_in_dim3A_135 : vector<8x1xi32> to vector<8x128xi32>
        %select_n3A_137 = arith.select %eq3A_128, %broadcast_in_dim3A_136, %scan3A_82 : vector<8x128xi1>, vector<8x128xi32>
        %broadcast_in_dim3A_138 = vector.shape_cast %broadcast_in_dim3A_94 : vector<8x1xi32> to vector<8x1xi32>
        %broadcast_in_dim3A_139 = vector.broadcast %broadcast_in_dim3A_138 : vector<8x1xi32> to vector<8x128xi32>
        %select_n3A_140 = arith.select %eq3A_122, %broadcast_in_dim3A_139, %select_n3A_137 : vector<8x128xi1>, vector<8x128xi32>
        scf.yield %select_n3A_134, %select_n3A_140 : vector<8x128xf32>, vector<8x128xi32>
      }
      %scan3A_72 = arith.constant 50 : i32
      %slice3A_73 = vector.extract_strided_slice %scan3A_71#0 {offsets = [0, 0], sizes = [8, 100], strides = [1, 1]} : vector<8x128xf32> to vector<8x100xf32>
      %swap3A_74 = arith.constant 0 : index
      %swap3A_75 = arith.constant 0 : index
      %swap3A_76 = vector.load %arg6[%swap3A_74, %swap3A_75] : memref<8x100xf32, #tpu.memory_space<vmem>>, vector<8x100xf32>
      tpu.vector_store %arg6[%swap3A_74, %swap3A_75], %slice3A_73 {strides = array<i32>} : memref<8x100xf32, #tpu.memory_space<vmem>>, vector<8x100xf32>,
      %swap3A_77 = arith.constant 0 : index
      %swap3A_78 = arith.constant 0 : index
      %swap3A_79 = vector.load %arg7[%swap3A_77, %swap3A_78] : memref<8x128xi32, #tpu.memory_space<vmem>>, vector<8x128xi32>
      tpu.vector_store %arg7[%swap3A_77, %swap3A_78], %scan3A_71#1 {strides = array<i32>} : memref<8x128xi32, #tpu.memory_space<vmem>>, vector<8x128xi32>,
    } else {
    }
    return
  }
  func.func @transform_0(%arg0: i32) -> (i32, i32, i32) {
    %c0_i32 = arith.constant 0 : i32
    %c0_i32_0 = arith.constant 0 : i32
    %c0_i32_1 = arith.constant 0 : i32
    return %c0_i32, %arg0, %c0_i32_0 : i32, i32, i32
  }
  func.func @transform_1(%arg0: i32) -> (i32, i32) {
    %c0_i32 = arith.constant 0 : i32
    %c0_i32_0 = arith.constant 0 : i32
    %c0_i32_1 = arith.constant 0 : i32
    return %c0_i32, %c0_i32_0 : i32, i32
  }
  func.func @transform_2(%arg0: i32) -> (i32, i32) {
    %c0_i32 = arith.constant 0 : i32
    %c0_i32_0 = arith.constant 0 : i32
    %c0_i32_1 = arith.constant 0 : i32
    return %c0_i32, %c0_i32_0 : i32, i32
  }
  func.func @transform_3(%arg0: i32) -> (i32, i32) {
    %c0_i32 = arith.constant 0 : i32
    %c0_i32_0 = arith.constant 0 : i32
    return %c0_i32, %arg0 : i32, i32
  }
  func.func @transform_4(%arg0: i32) -> (i32, i32) {
    %c0_i32 = arith.constant 0 : i32
    %c0_i32_0 = arith.constant 0 : i32
    return %arg0, %c0_i32 : i32, i32
  }
  func.func @transform_5(%arg0: i32) -> (i32, i32) {
    %c0_i32 = arith.constant 0 : i32
    %c0_i32_0 = arith.constant 0 : i32
    %c0_i32_1 = arith.constant 0 : i32
    return %c0_i32, %c0_i32_0 : i32, i32
  }
  func.func @transform_6(%arg0: i32) -> (i32, i32) {
    %c0_i32 = arith.constant 0 : i32
    %c0_i32_0 = arith.constant 0 : i32
    %c0_i32_1 = arith.constant 0 : i32
    return %c0_i32, %c0_i32_0 : i32, i32
  }
}

</mosaic_0001>

<sc_bundles>
// kernel: kernel.4.cloned.1.call-start
scs
__scs_entry_jumppad:
0x0: {  	(pc) =	sbr.rel $0x88, $3  }
0x1: {  	(tag) =	ssettag $0x0;
	lr =	simm.s32 $0x1  }
0x2: {  	[smem:$0x3F99] =	sst lr;
	_ =	strace $0xD0000000  }
0x3: {  	_ = 	snop  }
0x4: {  	_ = 	snop  }
0x5: {  	_ = 	snop  }
0x6: {  	_ = 	snop  }
0x7: {  	_ = 	snop  }
__scs_overlays_trampoline_lowered:
0x8: {  	[smem:$0x3FA8] =	sst s0  }
0x9: {  	[smem:$0x3FA9] =	sst s1  }
0xa: {  	[smem:$0x3FAA] =	sst s2  }
0xb: {  	[smem:$0x3FAB] =	sst s3  }
0xc: {  	[smem:$0x3FAC] =	sst s4  }
0xd: {  	[smem:$0x3FAD] =	sst s5  }
0xe: {  	[smem:$0x3FAE] =	sst s6  }
0xf: {  	[smem:$0x3FAF] =	sst s7  }
0x10: {  	[smem:$0x3FB0] =	sst s8  }
0x11: {  	[smem:$0x3FB1] =	sst s9;
	s0 =	simm.s32 @!p0 $0x0  }
0x12: {  	s1 =	sld [smem:$0x3F97];
	s0 =	simm.s32 @p0 $0x1  }
0x13: {  	[smem:$0x3FB2] =	sst s0;
	s0 =	simm.s32 @!p1 $0x0  }
0x14: {  	s2 =	sld [smem:$0x3F96];
	s0 =	simm.s32 @p1 $0x1  }
0x15: {  	[smem:$0x3FB3] =	sst s0;
	s0 =	simm.s32 @!p2 $0x0  }
0x16: {  	s3 =	sld [smem:$0x3FDB];
	s0 =	simm.s32 @p2 $0x1  }
0x17: {  	s4 =	simm.s32 $0x1BF5;
	[smem:$0x3FB5] =	sst s0  }
0x18: {  	s0 =	sld [smem:$0x3F98];
	_ =	swait.ge [sflag:s4], $0x0  }
0x19: {  	s7 =	sld [smem:$0x3F99]  }
0x1a: {  	s8 =	sadd.s32 $0xFFFFE003, lr  }
0x1b: {  	s9 =	sadd.s32 $0xFFFFFEF7, lr;
	s5 =	simm.s32 $0xFFFFFFFF;
	p2 =	slt.u32 s8, $0xFFFFF086  }
0x1c: {  	p1 =	slt.u32 s9, $0xF7A;
	s5 =	simm.s32 @!p2 $0x0  }
0x1d: {  	s5 =	simm.s32 @p1 $0x1;
	p0 =	seq.s32 s7, s2  }
0x1e: {  	s7 =	smul.u32 @!p0 $0xF7A, s2;
	p2 =	seq.s32 @!p0 s5, $0x0  }
0x1f: {  	s9 =	smul.u32 $0xF7A, s1;
	s8 =	simm.s32 @!p0 $0x1BF5;
	p2 =	por !p2, p0  }
0x20: {  	[sflag:s8] =	ssyncset.s32 @!p0 $0xFFFFF086;
	s6 =	sadd.s32 @!p0 s3, s7;
	s7 =	simm.s32 @!p0 $0x108  }
0x21: {  	s3 =	sadd.s32 s3, s9;
	s6 =	sadd.s32 @!p0 $0x88, s6;
	s7 =	simm.s32 @p2 $0x1082  }
0x22: {  	[simem:s7], [sflag:s8] =	dma.local @!p0 [hbm:s6], $0xF7A  }
0x23: {  	s9 =	sor.u32 $0xD0000000, s2;
	s6 =	simm.s32 $0x108;
	_ =	swait.ge @!p0 [sflag:s8], $0x0  }
0x24: {  	s3 =	sadd.s32 $0x88, s3;
	s6 =	simm.s32 @!p1 $0x1082;
	[sflag:s4] =	ssyncset.s32 $0xFFFFF086  }
0x25: {  	[simem:s6], [sflag:s4] =	dma.local [hbm:s3], $0xF7A  }
0x26: {  	[smem:$0x3F99] =	sst s1;
	(tag) =	ssettag s2;
	_ =	strace s9  }
0x27: {  	s1 =	sld [smem:$0x3FA9]  }
0x28: {  	s2 =	sld [smem:$0x3FAA]  }
0x29: {  	s4 =	sld [smem:$0x3FAC]  }
0x2a: {  	p0 =	seq.s32 s5, $0x0;
	s5 =	sld [smem:$0x3FAD]  }
0x2b: {  	s6 =	sld [smem:$0x3FAE]  }
0x2c: {  	s7 =	sld [smem:$0x3FAF]  }
0x2d: {  	s3 =	simm.s32 $0x108;
	s8 =	sld [smem:$0x3FB0]  }
0x2e: {  	s3 =	simm.s32 @!p0 $0x1082;
	s9 =	sld [smem:$0x3FB1]  }
0x2f: {  	lr =	sadd.s32 s0, s3;
	s0 =	sld [smem:$0x3FA8]  }
0x30: {  	s3 =	sld [smem:$0x3FAB]  }
0x31: {  	[smem:$0x3FB4] =	sst s10  }
0x32: {  	s10 =	sld [smem:$0x3FB2];
	_ =	sdelay $0x3  }
0x33: {  	p0 =	seq.s32 s10, $0x1;
	s10 =	sld [smem:$0x3FB4];
	_ =	sdelay $0x3  }
0x34: {  	[smem:$0x3FB4] =	sst s10  }
0x35: {  	s10 =	sld [smem:$0x3FB3];
	_ =	sdelay $0x3  }
0x36: {  	p1 =	seq.s32 s10, $0x1;
	s10 =	sld [smem:$0x3FB4];
	_ =	sdelay $0x3  }
0x37: {  	[smem:$0x3FB4] =	sst s10  }
0x38: {  	s10 =	sld [smem:$0x3FB5]  }
0x39: {  	_ = 	snop;
	(pc) =	sbr.ind lr, $3  }
0x3a: {  	_ = 	snop  }
0x3b: {  	_ = 	snop  }
0x3c: {  	p2 =	seq.s32 s10, $0x1;
	s10 =	sld [smem:$0x3FB4]  }
0x3d: {  	_ =	shalt  }
0x3e: {  	_ =	shalt  }
0x3f: {  	_ =	shalt  }
0x40: {  	_ =	shalt  }
0x41: {  	_ =	shalt  }
0x42: {  	_ =	shalt  }
0x43: {  	_ =	shalt  }
0x44: {  	_ =	shalt  }
0x45: {  	_ =	shalt  }
0x46: {  	_ =	shalt  }
0x47: {  	_ =	shalt  }
0x48: {  	_ =	shalt  }
0x49: {  	_ =	shalt  }
0x4a: {  	_ =	shalt  }
0x4b: {  	_ =	shalt  }
0x4c: {  	_ =	shalt  }
0x4d: {  	_ =	shalt  }
0x4e: {  	_ =	shalt  }
0x4f: {  	_ =	shalt  }
0x50: {  	_ =	shalt  }
0x51: {  	_ =	shalt  }
0x52: {  	_ =	shalt  }
0x53: {  	_ =	shalt  }
0x54: {  	_ =	shalt  }
0x55: {  	_ =	shalt  }
0x56: {  	_ =	shalt  }
0x57: {  	_ =	shalt  }
0x58: {  	_ =	shalt  }
0x59: {  	_ =	shalt  }
0x5a: {  	_ =	shalt  }
0x5b: {  	_ =	shalt  }
0x5c: {  	_ =	shalt  }
0x5d: {  	_ =	shalt  }
0x5e: {  	_ =	shalt  }
0x5f: {  	_ =	shalt  }
0x60: {  	_ =	shalt  }
0x61: {  	_ =	shalt  }
0x62: {  	_ =	shalt  }
0x63: {  	_ =	shalt  }
0x64: {  	_ =	shalt  }
0x65: {  	_ =	shalt  }
0x66: {  	_ =	shalt  }
0x67: {  	_ =	shalt  }
0x68: {  	_ =	shalt  }
0x69: {  	_ =	shalt  }
0x6a: {  	_ =	shalt  }
0x6b: {  	_ =	shalt  }
0x6c: {  	_ =	shalt  }
0x6d: {  	_ =	shalt  }
0x6e: {  	_ =	shalt  }
0x6f: {  	_ =	shalt  }
0x70: {  	_ =	shalt  }
0x71: {  	_ =	shalt  }
0x72: {  	_ =	shalt  }
0x73: {  	_ =	shalt  }
0x74: {  	_ =	shalt  }
0x75: {  	_ =	shalt  }
0x76: {  	_ =	shalt  }
0x77: {  	_ =	shalt  }
0x78: {  	_ =	shalt  }
0x79: {  	_ =	shalt  }
0x7a: {  	_ =	shalt  }
0x7b: {  	_ =	shalt  }
0x7c: {  	_ =	shalt  }
0x7d: {  	_ =	shalt  }
0x7e: {  	_ =	shalt  }
0x7f: {  	_ =	shalt  }
0x80: {  	_ =	shalt  }
0x81: {  	_ =	shalt  }
0x82: {  	_ =	shalt  }
0x83: {  	_ =	shalt  }
0x84: {  	_ =	shalt  }
0x85: {  	_ =	shalt  }
0x86: {  	_ =	shalt  }
0x87: {  	_ =	shalt  }
.Lfunc_end0:
.L_simem_size_0:
called_computation_lowered:
.L_overlay_start_0:
0x88: {  	s0 =	sld [smem:$0x3FD9]  }
0x89: {  	s1 =	sld [smem:$0x3FFE];
	_ =	sdelay $0x3  }
0x8a: {  	s0 =	sadd.s32 s1, s0  }
0x8b: {  	[smem:$0x3FC0] =	sst s0  }
0x8c: {  	_ = 	snop  }
0x8d: {  	s0 =	sld [smem:$0x3FD0];
	(tm) =	ssettm $0x1  }
0x8e: {  	s16 =	sld [smem:$0x3FFB];
	_ =	sdelay $0x3  }
0x8f: {  	_ =	strace s16  }
0x90: {  	s1 =	sld [smem:$0x3FFC];
	_ =	sdelay $0x3  }
0x91: {  	_ =	strace s1  }
0x92: {  	s1 =	sld [smem:$0x3FFD];
	_ =	sdelay $0x3  }
0x93: {  	_ =	strace s1  }
0x94: {  	_ =	strace $0x8FFFFFFF  }
0x95: {  	s17 =	sld [smem:$0x3FDB];
	_ =	sdelay $0x1  }
0x96: {  	s2 =	simm.s32 $_scs_section_size  }
0x97: {  	s3 =	simm.s32 $_size__tile_overlayer_lowered;
	s4 =	simm.s32 $_tile_overlayer_lowered  }
0x98: {  	s20 =	simm.s32 $0x1BFF;
	s19 =	sshll.u32 s4, $0x1;
	s1 =	sadd.s32 s2, s17  }
0x99: {  	s5 =	simm.s32 $0x0;
	s18 =	sshll.u32 s3, $0x1;
	s3 =	sadd.s32 s19, s1  }
0x9a: {  	[timem:s5], [sflag:s20] =	dma.local [hbm:s3], s18  }
0x9b: {  	_ =	swait.ge [sflag:s20], s18  }
0x9c: {  	s2 =	ssub.s32 $0x0, s18;
	[sflag:s20] =	ssyncset.done $0x0  }
0x9d: {  	[sflag:s20] =	ssyncadd.s32 s2;
	_ =	sdelay $0x1  }
0x9e: {  	s21 =	simm.s32 $0x1B8B  }
0x9f: {  	_ =	swait.ge [sflag:s21], $0x1  }
0xa0: {  	[sflag:s21] =	ssyncset.done $0x0  }
0xa1: {  	s23 =	simm.s32 $0x1B8E;
	s22 =	sld [smem:$0x3FFE];
	[sflag:s21] =	ssyncadd.s32 $0xFFFFFFFF  }
0xa2: {  	s24 =	simm.s32 $execute0_lowered;
	[smem:$0x3FD2] =	sst s23  }
0xa3: {  	s3 =	sshll.u32 s24, $0x1;
	_ =	strace $0x80000046;
	[dreg:$0x1] =	wrdreg $0xFFFFFFFF  }
0xa4: {  	s25 =	simm.s32 $_size_execute0_lowered;
	s1 =	sadd.s32 s1, s3;
	[dreg:$0x0] =	wrdreg $0x0  }
0xa5: {  	s3 =	sshll.u32 s25, $0x1;
	[dreg:$0x2] =	wrdreg s1  }
0xa6: {  	[dreg:$0x3] =	wrdreg s3  }
0xa7: {  	[dreg:$0x4] =	wrdreg $0xC0  }
0xa8: {  	_ =	task [dreg:s5], $0x5FFFF  }
0xa9: {  	[dreg:$0x1] =	wrdreg $0xFFFFFFFF  }
0xaa: {  	[dreg:$0x0] =	wrdreg $0x60  }
0xab: {  	[dreg:$0x2] =	wrdreg s0  }
0xac: {  	[dreg:$0x3] =	wrdreg s22  }
0xad: {  	[dreg:$0x4] =	wrdreg $0x9  }
0xae: {  	_ =	task.clear_ibuf [dreg:s5], $0x5FFFF;
	_ =	strace $0x90000046  }
0xaf: {  	s26 =	simm.s32 $0x9;
	_ =	strace $0x80000048  }
0xb0: {  	_ =	swait.ge [sflag:s26], $0x1  }
0xb1: {  	[sflag:s26] =	ssyncadd.s32 $0xFFFFFFFF  }
0xb2: {  	_ =	strace $0x90000048  }
0xb3: {  	_ =	sfence  }
0xb4: {  	s28 =	sld [smem:$0x0];
	_ =	sdelay $0x1  }
0xb5: {  	s29 =	srdreg.scid  }
0xb6: {  	s30 =	sshll.u32 s29, $0xD;
	s31 =	sshrl.u32 s29, $0x2  }
0xb7: {  	s2 =	sand.u32 $0x4000, s30;
	s1 =	sand.u32 $0x1, s29;
	s0 =	sadd.s32 s31, s28  }
0xb8: {  	s1 =	sor.u32 s2, s1;
	s0 =	sshll.u32 s0, $0x11  }
0xb9: {  	s0 =	sor.u32 s0, s1  }
0xba: {  	s0 =	sadd.s32 $0x8F2B, s0  }
0xbb: {  	[sflag:s0] =	ssyncadd.remote.s32 $0x1  }
0xbc: {  	_ =	sfence.sel $0xFFFF  }
0xbd: {  	[dreg:$0x0] =	wrdreg $0xFFFFFFFF;
	(pc) =	sbr.abs _section_cstart, $3  }
0xbe: {  	[dreg:$0x1] =	wrdreg $0xFFFFFFFF  }
0xbf: {  	_ =	task.clear_ibuf [dreg:s5], $0x2FFFF;
	_ =	strace $0x9FFFFFFF  }
0xc0: {  	(tm) =	ssettm $0x7FFFFFFF  }
0xc1: {  	_ =	shalt  }
tec
execute0_lowered:
.L_overlay_start_1:
0x0: {  	(tag) =	ssettag $0x1  }
0x1: {  	s3 =	rddreg [dreg:$0x0]  }
0x2: {  	s10 =	rddreg [dreg:$0x1];
	s2 =	simm.s32 $0x0  }
0x3: {  	[smem:$0x7FF] =	sst s2  }
0x4: {  	s0 =	rddreg [dreg:$0x2];
	v0 =	vimm.f32 $2.000000000e+00;
	_ =	strace $0x80000047  }
0x5: {  	(erf) = vrcp.f32 v0;
	_ =	sdelay $0x5  }
0x6: {  	s1 =	stileid.u32  }
0x7: {  	s4 =	sshll.u32 s1, $0x3  }
0x8: {  	s22 =	simm.s32 $0x2;
	s3 =	sadd.s32 s3, s4  }
0x9: {  	[tilespmem:s2], [sflag:$0x2] =	stream.linear.gather [hbm4b:s3+s2], $0x40, $0x38;
	v0 =	vpop (erf);
	[tilespmem:$0x180] =	vst v63  }
0xa: {  	_ =	swait.ge [sflag:s22], $0x40  }
0xb: {  	[sflag:s22] =	ssyncset.done $0x0  }
0xc: {  	s6 =	simm.s32 $0x80;
	s5 =	sadd.s32 $0x1200, s10;
	[sflag:s22] =	ssyncadd.s32 $0xFFFFFFC0  }
0xd: {  	[tilespmem:s6], [sflag:$0x2] =	stream.linear.gather [hbm4b:s5+s2], $0x80, $0x38;
	[tilespmem:$0x180] =	vst v63  }
0xe: {  	_ =	swait.ge [sflag:s22], $0x80  }
0xf: {  	[sflag:s22] =	ssyncset.done $0x0  }
0x10: {  	[sflag:s22] =	ssyncadd.s32 $0xFFFFFF80  }
0x11: {  	v1 =	vld [tilespmem:$0x0];
	_ =	sdelay $0x4  }
0x12: {  	v2 =	vshll.u32 v1, $0x3  }
0x13: {  	s23 =	sshll.u32 s1, $0x8;
	v3 =	vand.u32 $0x1FF, v1;
	v2 =	vand.u32 $0xFFFFF000, v2  }
0x14: {  	s8 =	sand.u32 $0xE00, s23;
	v2 =	vor.u32 v2, v3  }
0x15: {  	v2 =	vor.u32 s8, v2  }
0x16: {  	v2 =	vmul.u32 $0x3, v2;
	_ =	sdelay $0x1  }
0x17: {  	v30 =	vadd.s32 $0x1, v2;
	_ =	sdelay $0x3  }
0x18: {  	vm0 =	vmmov $0xffff;
	s25 =	simm.s32 $0x100;
	s7 =	simm.s32 $0x1;
	s24 =	sadd.s32 $0x281400, s10  }
0x19: {  	v2 =	vadd.s32 $0x2, v2;
	[tilespmem:s25], [sflag:$0x1] =	stream.indirect_vreg.gather [hbm4b:s24+s2], $0x1, v30, vm0, $0xb8;
	[tilespmem:$0x180] =	vst v63  }
0x1a: {  	_ =	swait.ge [sflag:s7], $0x10  }
0x1b: {  	[sflag:s7] =	ssyncset.done $0x0  }
0x1c: {  	[sflag:s7] =	ssyncadd.s32 $0xFFFFFFF0  }
0x1d: {  	v31 =	vld [tilespmem:$0x100]  }
0x1e: {  	v4 =	vld [tilespmem:$0x80];
	[tilespmem:s25], [sflag:$0x1] =	stream.indirect_vreg.gather [hbm4b:s24+s2], $0x1, v2, vm0, $0xb8  }
0x1f: {  	_ =	swait.ge [sflag:s7], $0x10  }
0x20: {  	[sflag:s7] =	ssyncset.done $0x0  }
0x21: {  	[sflag:s7] =	ssyncadd.s32 $0xFFFFFFF0  }
0x22: {  	v32 =	vld [tilespmem:$0x100]  }
0x23: {  	v5 =	vld [tilespmem:$0x90];
	_ =	sdelay $0x4  }
0x24: {  	v3 =	vadd.f32 v4, v31;
	v2 =	vadd.f32 v5, v32  }
0x25: {  	v1 =	vcvt.s32.f32 v1  }
0x26: {  	v3 =	vmax.f32 v3, $0.0e+00;
	v2 =	vmax.f32 v2, $0.0e+00  }
0x27: {  	v33 =	vmul.f32 v3, v0;
	v1 =	vadd.f32 v1, v2;
	_ =	sdelay $0x1  }
0x28: {  	v3 =	vsub.f32 v1, v33;
	_ =	sdelay $0x1  }
0x29: {  	v3 =	vmax.f32 v3, $0.0e+00  }
0x2a: {  	v1 =	vadd.f32 v1, v33;
	v3 =	vmin.f32 v3, $1.999900000e+04  }
0x2b: {  	v34 =	vadd.f32 v3, v3  }
0x2c: {  	s9 =	sadd.s32 $0x1400, s10;
	v1 =	vmax.f32 v1, $0.0e+00  }
0x2d: {  	s11 =	sadd.s32 s9, s4;
	v1 =	vmin.f32 v1, $1.999900000e+04;
	[tilespmem:$0x100] =	vst v34  }
0x2e: {  	v1 =	vadd.f32 v1, v1;
	[hbm4b:s11+s2] =	stream.linear.scatter [tilespmem:s25], [sflag:$0x2], $0x10, $0x38;
	[tilespmem:$0x180] =	vst v63  }
0x2f: {  	_ =	swait.ge [sflag:s22], $0x10  }
0x30: {  	v1 =	vadd.f32 $2.000000000e+00, v1;
	[sflag:s22] =	ssyncset.done $0x0  }
0x31: {  	s10 =	sadd.s32 $0x1600, s10;
	[sflag:s22] =	ssyncadd.s32 $0xFFFFFFF0  }
0x32: {  	s26 =	sadd.s32 s10, s4;
	[tilespmem:$0x100] =	vst v1  }
0x33: {  	[hbm4b:s26+s2] =	stream.linear.scatter [tilespmem:s25], [sflag:$0x2], $0x10, $0x38;
	[tilespmem:$0x180] =	vst v63  }
0x34: {  	_ =	swait.ge [sflag:s22], $0x10  }
0x35: {  	[sflag:s22] =	ssyncset.done $0x0  }
0x36: {  	[sflag:s22] =	ssyncadd.s32 $0xFFFFFFF0  }
0x37: {  	v35 =	vld [tilespmem:$0x10];
	_ =	sdelay $0x4  }
0x38: {  	v36 =	vshll.u32 v35, $0x3  }
0x39: {  	v37 =	vand.u32 $0x1FF, v35;
	v2 =	vand.u32 $0xFFFFF000, v36  }
0x3a: {  	v2 =	vor.u32 v2, v37  }
0x3b: {  	v2 =	vor.u32 s8, v2  }
0x3c: {  	v2 =	vmul.u32 $0x3, v2;
	_ =	sdelay $0x1  }
0x3d: {  	v38 =	vadd.s32 $0x1, v2;
	_ =	sdelay $0x4  }
0x3e: {  	v2 =	vadd.s32 $0x2, v2;
	[tilespmem:s25], [sflag:$0x1] =	stream.indirect_vreg.gather [hbm4b:s24+s2], $0x1, v38, vm0, $0xb8;
	[tilespmem:$0x180] =	vst v63  }
0x3f: {  	_ =	swait.ge [sflag:s7], $0x10  }
0x40: {  	[sflag:s7] =	ssyncset.done $0x0  }
0x41: {  	[sflag:s7] =	ssyncadd.s32 $0xFFFFFFF0  }
0x42: {  	v39 =	vld [tilespmem:$0x100]  }
0x43: {  	v40 =	vld [tilespmem:$0x80];
	[tilespmem:s25], [sflag:$0x1] =	stream.indirect_vreg.gather [hbm4b:s24+s2], $0x1, v2, vm0, $0xb8  }
0x44: {  	_ =	swait.ge [sflag:s7], $0x10  }
0x45: {  	[sflag:s7] =	ssyncset.done $0x0  }
0x46: {  	[sflag:s7] =	ssyncadd.s32 $0xFFFFFFF0  }
0x47: {  	v41 =	vld [tilespmem:$0x100]  }
0x48: {  	v42 =	vld [tilespmem:$0x90];
	_ =	sdelay $0x4  }
0x49: {  	v3 =	vadd.f32 v40, v39;
	v2 =	vadd.f32 v42, v41  }
0x4a: {  	v1 =	vcvt.s32.f32 v35  }
0x4b: {  	v3 =	vmax.f32 v3, $0.0e+00;
	v2 =	vmax.f32 v2, $0.0e+00  }
0x4c: {  	v43 =	vmul.f32 v3, v0;
	v1 =	vadd.f32 v1, v2;
	_ =	sdelay $0x1  }
0x4d: {  	v3 =	vsub.f32 v1, v43;
	_ =	sdelay $0x1  }
0x4e: {  	v3 =	vmax.f32 v3, $0.0e+00  }
0x4f: {  	v1 =	vadd.f32 v1, v43;
	v3 =	vmin.f32 v3, $1.999900000e+04  }
0x50: {  	v44 =	vadd.f32 v3, v3  }
0x51: {  	s28 =	sor.u32 $0x2, s4;
	v1 =	vmax.f32 v1, $0.0e+00  }
0x52: {  	s12 =	sadd.s32 s9, s28;
	v1 =	vmin.f32 v1, $1.999900000e+04;
	[tilespmem:$0x100] =	vst v44  }
0x53: {  	v1 =	vadd.f32 v1, v1;
	[hbm4b:s12+s2] =	stream.linear.scatter [tilespmem:s25], [sflag:$0x2], $0x10, $0x38;
	[tilespmem:$0x180] =	vst v63  }
0x54: {  	_ =	swait.ge [sflag:s22], $0x10  }
0x55: {  	v1 =	vadd.f32 $2.000000000e+00, v1;
	[sflag:s22] =	ssyncset.done $0x0  }
0x56: {  	[sflag:s22] =	ssyncadd.s32 $0xFFFFFFF0  }
0x57: {  	s11 =	sadd.s32 s10, s28;
	[tilespmem:$0x100] =	vst v1  }
0x58: {  	[hbm4b:s11+s2] =	stream.linear.scatter [tilespmem:s25], [sflag:$0x2], $0x10, $0x38;
	[tilespmem:$0x180] =	vst v63  }
0x59: {  	_ =	swait.ge [sflag:s22], $0x10  }
0x5a: {  	[sflag:s22] =	ssyncset.done $0x0  }
0x5b: {  	[sflag:s22] =	ssyncadd.s32 $0xFFFFFFF0  }
0x5c: {  	v45 =	vld [tilespmem:$0x20];
	_ =	sdelay $0x4  }
0x5d: {  	v46 =	vshll.u32 v45, $0x3  }
0x5e: {  	v47 =	vand.u32 $0x1FF, v45;
	v2 =	vand.u32 $0xFFFFF000, v46  }
0x5f: {  	v2 =	vor.u32 v2, v47  }
0x60: {  	v2 =	vor.u32 s8, v2  }
0x61: {  	v2 =	vmul.u32 $0x3, v2;
	_ =	sdelay $0x1  }
0x62: {  	v48 =	vadd.s32 $0x1, v2;
	_ =	sdelay $0x4  }
0x63: {  	v2 =	vadd.s32 $0x2, v2;
	[tilespmem:s25], [sflag:$0x1] =	stream.indirect_vreg.gather [hbm4b:s24+s2], $0x1, v48, vm0, $0xb8;
	[tilespmem:$0x180] =	vst v63  }
0x64: {  	_ =	swait.ge [sflag:s7], $0x10  }
0x65: {  	[sflag:s7] =	ssyncset.done $0x0  }
0x66: {  	[sflag:s7] =	ssyncadd.s32 $0xFFFFFFF0  }
0x67: {  	v49 =	vld [tilespmem:$0x100]  }
0x68: {  	v50 =	vld [tilespmem:$0x80];
	[tilespmem:s25], [sflag:$0x1] =	stream.indirect_vreg.gather [hbm4b:s24+s2], $0x1, v2, vm0, $0xb8  }
0x69: {  	_ =	swait.ge [sflag:s7], $0x10  }
0x6a: {  	[sflag:s7] =	ssyncset.done $0x0  }
0x6b: {  	[sflag:s7] =	ssyncadd.s32 $0xFFFFFFF0  }
0x6c: {  	v51 =	vld [tilespmem:$0x100]  }
0x6d: {  	v52 =	vld [tilespmem:$0x90];
	_ =	sdelay $0x4  }
0x6e: {  	v3 =	vadd.f32 v50, v49;
	v2 =	vadd.f32 v52, v51  }
0x6f: {  	v1 =	vcvt.s32.f32 v45  }
0x70: {  	v3 =	vmax.f32 v3, $0.0e+00;
	v2 =	vmax.f32 v2, $0.0e+00  }
0x71: {  	v53 =	vmul.f32 v3, v0;
	v1 =	vadd.f32 v1, v2;
	_ =	sdelay $0x1  }
0x72: {  	v3 =	vsub.f32 v1, v53;
	_ =	sdelay $0x1  }
0x73: {  	v3 =	vmax.f32 v3, $0.0e+00  }
0x74: {  	v1 =	vadd.f32 v1, v53;
	v3 =	vmin.f32 v3, $1.999900000e+04  }
0x75: {  	v54 =	vadd.f32 v3, v3  }
0x76: {  	s29 =	sor.u32 $0x4, s4;
	v1 =	vmax.f32 v1, $0.0e+00  }
0x77: {  	s30 =	sadd.s32 s9, s29;
	v1 =	vmin.f32 v1, $1.999900000e+04;
	[tilespmem:$0x100] =	vst v54  }
0x78: {  	v1 =	vadd.f32 v1, v1;
	[hbm4b:s30+s2] =	stream.linear.scatter [tilespmem:s25], [sflag:$0x2], $0x10, $0x38;
	[tilespmem:$0x180] =	vst v63  }
0x79: {  	_ =	swait.ge [sflag:s22], $0x10  }
0x7a: {  	v1 =	vadd.f32 $2.000000000e+00, v1;
	[sflag:s22] =	ssyncset.done $0x0  }
0x7b: {  	[sflag:s22] =	ssyncadd.s32 $0xFFFFFFF0  }
0x7c: {  	s11 =	sadd.s32 s10, s29;
	[tilespmem:$0x100] =	vst v1  }
0x7d: {  	[hbm4b:s11+s2] =	stream.linear.scatter [tilespmem:s25], [sflag:$0x2], $0x10, $0x38;
	[tilespmem:$0x180] =	vst v63  }
0x7e: {  	_ =	swait.ge [sflag:s22], $0x10  }
0x7f: {  	[sflag:s22] =	ssyncset.done $0x0  }
0x80: {  	[sflag:s22] =	ssyncadd.s32 $0xFFFFFFF0  }
0x81: {  	v55 =	vld [tilespmem:$0x30];
	_ =	sdelay $0x4  }
0x82: {  	v56 =	vshll.u32 v55, $0x3  }
0x83: {  	v57 =	vand.u32 $0x1FF, v55;
	v2 =	vand.u32 $0xFFFFF000, v56  }
0x84: {  	v2 =	vor.u32 v2, v57  }
0x85: {  	v2 =	vor.u32 s8, v2  }
0x86: {  	v2 =	vmul.u32 $0x3, v2;
	_ =	sdelay $0x1  }
0x87: {  	v58 =	vadd.s32 $0x1, v2;
	_ =	sdelay $0x4  }
0x88: {  	v2 =	vadd.s32 $0x2, v2;
	[tilespmem:s25], [sflag:$0x1] =	stream.indirect_vreg.gather [hbm4b:s24+s2], $0x1, v58, vm0, $0xb8;
	[tilespmem:$0x180] =	vst v63  }
0x89: {  	_ =	swait.ge [sflag:s7], $0x10  }
0x8a: {  	[sflag:s7] =	ssyncset.done $0x0  }
0x8b: {  	[sflag:s7] =	ssyncadd.s32 $0xFFFFFFF0  }
0x8c: {  	v59 =	vld [tilespmem:$0x100]  }
0x8d: {  	v60 =	vld [tilespmem:$0x80];
	[tilespmem:s25], [sflag:$0x1] =	stream.indirect_vreg.gather [hbm4b:s24+s2], $0x1, v2, vm0, $0xb8  }
0x8e: {  	_ =	swait.ge [sflag:s7], $0x10  }
0x8f: {  	[sflag:s7] =	ssyncset.done $0x0  }
0x90: {  	[sflag:s7] =	ssyncadd.s32 $0xFFFFFFF0  }
0x91: {  	v61 =	vld [tilespmem:$0x100]  }
0x92: {  	v62 =	vld [tilespmem:$0x90];
	_ =	sdelay $0x4  }
0x93: {  	v3 =	vadd.f32 v60, v59;
	v2 =	vadd.f32 v62, v61  }
0x94: {  	v1 =	vcvt.s32.f32 v55  }
0x95: {  	v3 =	vmax.f32 v3, $0.0e+00;
	v2 =	vmax.f32 v2, $0.0e+00  }
0x96: {  	v0 =	vmul.f32 v3, v0;
	v1 =	vadd.f32 v1, v2;
	_ =	sdelay $0x1  }
0x97: {  	v2 =	vsub.f32 v1, v0;
	_ =	sdelay $0x1  }
0x98: {  	v2 =	vmax.f32 v2, $0.0e+00  }
0x99: {  	v0 =	vadd.f32 v1, v0;
	v2 =	vmin.f32 v2, $1.999900000e+04  }
0x9a: {  	v63 =	vadd.f32 v2, v2  }
0x9b: {  	s4 =	sor.u32 $0x6, s4;
	v0 =	vmax.f32 v0, $0.0e+00  }
0x9c: {  	s31 =	sadd.s32 s9, s4;
	v0 =	vmin.f32 v0, $1.999900000e+04;
	[tilespmem:$0x100] =	vst v63  }
0x9d: {  	v0 =	vadd.f32 v0, v0;
	[hbm4b:s31+s2] =	stream.linear.scatter [tilespmem:s25], [sflag:$0x2], $0x10, $0x38;
	[tilespmem:$0x180] =	vst v63  }
0x9e: {  	_ =	swait.ge [sflag:s22], $0x10  }
0x9f: {  	v0 =	vadd.f32 $2.000000000e+00, v0;
	[sflag:s22] =	ssyncset.done $0x0  }
0xa0: {  	[sflag:s22] =	ssyncadd.s32 $0xFFFFFFF0  }
0xa1: {  	s4 =	sadd.s32 s10, s4;
	[tilespmem:$0x100] =	vst v0  }
0xa2: {  	[hbm4b:s4+s2] =	stream.linear.scatter [tilespmem:s25], [sflag:$0x2], $0x10, $0x38;
	[tilespmem:$0x180] =	vst v63  }
0xa3: {  	_ =	swait.ge [sflag:s22], $0x10  }
0xa4: {  	[sflag:s22] =	ssyncset.done $0x0  }
0xa5: {  	[sflag:s22] =	ssyncadd.s32 $0xFFFFFFF0  }
0xa6: {  	_ =	sfence.sel $0x180000  }
0xa7: {  	[bflag:$0x0] =	sbarrier.arrive $0xFFFF  }
0xa8: {  	p0 =	sne.s32 s1, $0x0;
	_ =	strace $0x90000047  }
0xa9: {  	s0 =	sadd.s32 @!p0 $0x100000, s0;
	[bflag:$0x2] =	sbarrier.arrive $0xFFFF  }
0xaa: {  	[sflag:s0] =	ssyncadd.tile.s32 @!p0 $0x1;
	_ =	shalt  }
.Lfunc_end2:
_tile_overlayer_lowered:
.L_overlay_start_2:
0xab: {  	(tag) =	ssettag $0x2  }
0xac: {  	s0 =	rddreg [dreg:$0x0];
	s2 =	stileid.u32  }
0xad: {  	s1 =	rddreg [dreg:$0x1];
	p0 =	sne.s32 s2, $0x0  }
0xae: {  	s3 =	rddreg [dreg:$0x2];
	[bflag:$0x3] =	sbarrier.arrive $0xFFFF;
	s2 =	simm.s32 @!p0 $0x1C02  }
0xaf: {  	[timem:s3], [sflag:s2] =	dma.local @!p0 [hbm:s0], s1  }
0xb0: {  	s0 =	simm.s32 @!p0 $0x2  }
0xb1: {  	_ =	swait.ge @!p0 [sflag:s0], s1  }
0xb2: {  	s1 =	ssub.s32 @!p0 $0x0, s1;
	[sflag:s0] =	ssyncset.done @!p0 $0x0  }
0xb3: {  	[sflag:s0] =	ssyncadd.s32 @!p0 s1  }
0xb4: {  	[bflag:$0x3] =	sbarrier.arrive $0xFFFF  }
0xb5: {  	_ =	shalt  }

</sc_bundles>
